<compile_context>
chip_gen: v7x
topology: tpu7x:2x2x1
jax: 0.10.2.dev20260603
libtpu: 0.0.44.dev20260713+nightly
codegen_flags: <defaults>
</compile_context>

<pallas_src>
import functools

import jax
import jax.numpy as jnp
from jax import lax
from jax.experimental import pallas as pl
from jax.experimental.pallas import tpu as pltpu
from jax.experimental.pallas import tpu_sc as plsc

_B = 1024
_HW = 625
_E = 16
_NW = 32
_BPW = _B // _NW
_CHUNK = 8
_NCHUNK = _BPW // _CHUNK

_T1_ROWS = 6 * 5 * 4 * 4
_T2_ROWS = 4 * 4 * 3 * 3 * 8


def _sc_body(t1h, t2h, i0, i1, i2, i3, i4, i5, i6, i7, i8, outh,
             t1v, t2v, v0, v1, v2, v3, v4, v5, v6, v7, v8, outv):
    ihs = (i0, i1, i2, i3, i4, i5, i6, i7, i8)
    ivs = (v0, v1, v2, v3, v4, v5, v6, v7, v8)
    wid = lax.axis_index("s") * 2 + lax.axis_index("c")

    pltpu.sync_copy(t1h, t1v)
    pltpu.sync_copy(t2h, t2v)
    iota = lax.iota(jnp.int32, 16)

    def chunk_body(ck, carry):
        b0 = wid * _BPW + ck * _CHUNK
        coff = b0 * _HW
        for ih, iv in zip(ihs, ivs):
            pltpu.sync_copy(ih.at[pl.ds(coff, _CHUNK * _HW)], iv)

        def batch_body(bi, carry):
            base = bi * _HW

            def group_body(g, carry):
                go = jnp.minimum(g * 16, _HW - 16)
                cell = iota + (base + go)
                ts = [plsc.load_gather(iv, [cell]) for iv in ivs]
                q1 = ((ts[0] * 5 + ts[1]) * 4 + ts[2]) * 4 + ts[3]
                q2 = (((ts[4] * 4 + ts[5]) * 3 + ts[6]) * 3 + ts[7]) * 8 + ts[8]
                q1s = q1 * 16
                q2s = q2 * 16
                st0 = iota + go
                for e in range(_E):
                    r = (plsc.load_gather(t1v, [q1s + e]) +
                         plsc.load_gather(t2v, [q2s + e]))
                    plsc.store_scatter(outv, [st0 + e * _HW], r)
                return carry

            lax.fori_loop(0, (_HW + 15) // 16, group_body, 0)
            pltpu.sync_copy(outv, outh.at[b0 + bi])
            return carry

        lax.fori_loop(0, _CHUNK, batch_body, 0)
        return carry

    lax.fori_loop(0, _NCHUNK, chunk_body, 0)


@jax.jit
def _sc_call(t1, t2, *idx_flat):
    mesh = plsc.VectorSubcoreMesh(core_axis_name="c", subcore_axis_name="s")
    scratch = (
        [pltpu.VMEM((_T1_ROWS * _E,), jnp.float32),
         pltpu.VMEM((_T2_ROWS * _E,), jnp.float32)]
        + [pltpu.VMEM((_CHUNK * _HW,), jnp.int32) for _ in range(9)]
        + [pltpu.VMEM((_E * _HW,), jnp.float32)]
    )
    f = pl.kernel(
        _sc_body,
        out_type=jax.ShapeDtypeStruct((_B, _E * _HW), jnp.float32),
        mesh=mesh,
        scratch_types=scratch,
        compiler_params=pltpu.CompilerParams(needs_layout_passes=False),
    )
    return f(t1, t2, *idx_flat)


def kernel(terrains, hut_colors, hut_rotations, windmill_rotations,
           tower_rotations, tent_rotations, tree_types, plant_types,
           prop_types, W):
    T1 = (W[0:6][:, None, None, None, :]
          + W[6:11][None, :, None, None, :]
          + W[11:15][None, None, :, None, :]
          + W[15:19][None, None, None, :, :]).reshape(_T1_ROWS * _E)
    T2 = (W[19:23][:, None, None, None, None, :]
          + W[23:27][None, :, None, None, None, :]
          + W[27:30][None, None, :, None, None, :]
          + W[30:33][None, None, None, :, None, :]
          + W[33:41][None, None, None, None, :, :]).reshape(_T2_ROWS * _E)
    props = (terrains, hut_colors, hut_rotations, windmill_rotations,
             tower_rotations, tent_rotations, tree_types, plant_types,
             prop_types)
    idx_flat = [p.astype(jnp.int32).reshape(_B * _HW) for p in props]
    out = _sc_call(T1, T2, *idx_flat)
    return out.reshape(_B, _E, 25, 25)

# --- scband reference (transcript-rebuilt; emitter-appended) ---
"""Pipeline reference for scband-static-environment-embedder-71588514890312 (READ-ONLY COPY).

The authoritative reference and input builder live on the scoring server;
editing this copy changes nothing except your own understanding.
"""

import jax, jax.numpy as jnp
import numpy as np

COUNTS = [6, 5, 4, 4, 4, 4, 3, 3, 8]
OFFSETS = np.concatenate([[0], np.cumsum(COUNTS)[:-1]]).astype(np.int64)
VOCAB = int(np.sum(COUNTS))
EMB = 16
B, H, W_GRID = 1024, 25, 25


def setup_inputs(seed: int = 0) -> dict:
    key = jax.random.key(seed)
    ks = jax.random.split(key, 10)
    shape = (B, H, W_GRID)
    inp = {}
    names = ['terrains', 'hut_colors', 'hut_rotations', 'windmill_rotations',
             'tower_rotations', 'tent_rotations', 'tree_types', 'plant_types', 'prop_types']
    for i, (name, c) in enumerate(zip(names, COUNTS)):
        inp[name] = jax.random.randint(ks[i], shape, 0, c, dtype=jnp.int64)
    inp['W'] = jax.random.normal(ks[9], (VOCAB, EMB), dtype=jnp.float32)
    return inp


def reference(terrains, hut_colors, hut_rotations, windmill_rotations,
              tower_rotations, tent_rotations, tree_types, plant_types,
              prop_types, W) -> jnp.ndarray:
    props = [terrains, hut_colors, hut_rotations, windmill_rotations,
             tower_rotations, tent_rotations, tree_types, plant_types, prop_types]
    shifted = [p + int(OFFSETS[i]) for i, p in enumerate(props)]
    stacked_properties = jnp.stack(shifted)  # [9, B, H, W]
    all_property_embeddings = jnp.take(W, stacked_properties, axis=0)  # [9, B, H, W, E]
    all_property_embeddings = jnp.transpose(all_property_embeddings, (1, 0, 4, 2, 3))  # [B, 9, E, H, W]
    emb_state = jnp.sum(all_property_embeddings, axis=1)  # [B, E, H, W]
    return emb_state

if __name__ == "__main__":
    import jax
    _d = setup_inputs()
    print(jax.jit(kernel)(*tuple(_d.values())))

</pallas_src>

<mosaic_0001>
#map = affine_map<(d0, d1) -> (0)>
#map1 = affine_map<(d0, d1) -> (0, 0)>
module attributes {stable_mosaic.version = 14 : i64} {
  func.func @_sc_body(%arg0: i32, %arg1: i32, %arg2: memref<7680xf32, #tpu.memory_space<hbm>>, %arg3: memref<18432xf32, #tpu.memory_space<hbm>>, %arg4: memref<640000xi32, #tpu.memory_space<hbm>>, %arg5: memref<640000xi32, #tpu.memory_space<hbm>>, %arg6: memref<640000xi32, #tpu.memory_space<hbm>>, %arg7: memref<640000xi32, #tpu.memory_space<hbm>>, %arg8: memref<640000xi32, #tpu.memory_space<hbm>>, %arg9: memref<640000xi32, #tpu.memory_space<hbm>>, %arg10: memref<640000xi32, #tpu.memory_space<hbm>>, %arg11: memref<640000xi32, #tpu.memory_space<hbm>>, %arg12: memref<640000xi32, #tpu.memory_space<hbm>>, %arg13: memref<1024x10000xf32, #tpu.memory_space<hbm>>, %arg14: memref<7680xf32, #tpu.memory_space<vmem>>, %arg15: memref<18432xf32, #tpu.memory_space<vmem>>, %arg16: memref<5000xi32, #tpu.memory_space<vmem>>, %arg17: memref<5000xi32, #tpu.memory_space<vmem>>, %arg18: memref<5000xi32, #tpu.memory_space<vmem>>, %arg19: memref<5000xi32, #tpu.memory_space<vmem>>, %arg20: memref<5000xi32, #tpu.memory_space<vmem>>, %arg21: memref<5000xi32, #tpu.memory_space<vmem>>, %arg22: memref<5000xi32, #tpu.memory_space<vmem>>, %arg23: memref<5000xi32, #tpu.memory_space<vmem>>, %arg24: memref<5000xi32, #tpu.memory_space<vmem>>, %arg25: memref<10000xf32, #tpu.memory_space<vmem>>) attributes {dimension_semantics = [#tpu.dimension_semantics<core_parallel>, #tpu.dimension_semantics<subcore_parallel>], iteration_bounds = array<i64: 2, 16>, scalar_prefetch = 0 : i64, scratch_operands = 12 : i64, tpu.core_type = #tpu.core_type<sc_vector_subcore>, window_params = [{transform_indices = #map}, {transform_indices = #map}, {transform_indices = #map}, {transform_indices = #map}, {transform_indices = #map}, {transform_indices = #map}, {transform_indices = #map}, {transform_indices = #map}, {transform_indices = #map}, {transform_indices = #map}, {transform_indices = #map}, {transform_indices = #map1}]} {
    %mul3A = arith.constant 2 : i32
    %mul3A_0 = arith.muli %arg1, %mul3A : i32
    %add3A = arith.addi %mul3A_0, %arg0 : i32
    "tpu.region"() ({
      %run_scoped3A = tpu.sem_alloc : memref<!tpu.dma_semaphore, #tpu.memory_space<semaphore_mem>>
      tpu.enqueue_dma source(%arg2 : memref<7680xf32, #tpu.memory_space<hbm>>) target(%arg14 : memref<7680xf32, #tpu.memory_space<vmem>>) target_semaphore(%run_scoped3A : memref<!tpu.dma_semaphore, #tpu.memory_space<semaphore_mem>>)
      tpu.wait_dma2 semaphore(%run_scoped3A : memref<!tpu.dma_semaphore, #tpu.memory_space<semaphore_mem>>) src(%arg2 : memref<7680xf32, #tpu.memory_space<hbm>>) dst(%arg14 : memref<7680xf32, #tpu.memory_space<vmem>>)
      tpu.yield
    }) : () -> ()
    "tpu.region"() ({
      %run_scoped3A = tpu.sem_alloc : memref<!tpu.dma_semaphore, #tpu.memory_space<semaphore_mem>>
      tpu.enqueue_dma source(%arg3 : memref<18432xf32, #tpu.memory_space<hbm>>) target(%arg15 : memref<18432xf32, #tpu.memory_space<vmem>>) target_semaphore(%run_scoped3A : memref<!tpu.dma_semaphore, #tpu.memory_space<semaphore_mem>>)
      tpu.wait_dma2 semaphore(%run_scoped3A : memref<!tpu.dma_semaphore, #tpu.memory_space<semaphore_mem>>) src(%arg3 : memref<18432xf32, #tpu.memory_space<hbm>>) dst(%arg15 : memref<18432xf32, #tpu.memory_space<vmem>>)
      tpu.yield
    }) : () -> ()
    %iota3A = tpu.iota {dimensions = array<i32: 0>} : vector<16xi32>
    %scan3A = arith.constant 0 : i32
    %scan3A_1 = arith.constant 0 : i32
    %scan3A_2 = arith.constant 4 : i32
    %scan3A_3 = arith.addi %scan3A_1, %scan3A_2 : i32
    %scan3A_4 = arith.constant 1 : i32
    scf.for %scan3A_6 = %scan3A_1 to %scan3A_3 step %scan3A_4  : i32 {
      %mul3A_7 = arith.constant 32 : i32
      %mul3A_8 = arith.muli %add3A, %mul3A_7 : i32
      %mul3A_9 = arith.constant 8 : i32
      %mul3A_10 = arith.muli %scan3A_6, %mul3A_9 : i32
      %add3A_11 = arith.addi %mul3A_8, %mul3A_10 : i32
      %mul3A_12 = arith.constant 625 : i32
      %mul3A_13 = arith.muli %add3A_11, %mul3A_12 : i32
      "tpu.region"() ({
        %run_scoped3A = tpu.sem_alloc : memref<!tpu.dma_semaphore, #tpu.memory_space<semaphore_mem>>
        %dma_start3A = tpu.memref_slice %arg4[%mul3A_13] : memref<640000xi32, #tpu.memory_space<hbm>> -> memref<5000xi32, #tpu.memory_space<hbm>>
        %dma_start3A_20 = tpu.memref_slice %arg4[%mul3A_13] : memref<640000xi32, #tpu.memory_space<hbm>> -> memref<5000xi32, #tpu.memory_space<hbm>>
        tpu.enqueue_dma source(%dma_start3A_20 : memref<5000xi32, #tpu.memory_space<hbm>>) target(%arg16 : memref<5000xi32, #tpu.memory_space<vmem>>) target_semaphore(%run_scoped3A : memref<!tpu.dma_semaphore, #tpu.memory_space<semaphore_mem>>)
        %dma_wait3A = tpu.memref_slice %arg4[%mul3A_13] : memref<640000xi32, #tpu.memory_space<hbm>> -> memref<5000xi32, #tpu.memory_space<hbm>>
        %dma_wait3A_21 = tpu.memref_slice %arg4[%mul3A_13] : memref<640000xi32, #tpu.memory_space<hbm>> -> memref<5000xi32, #tpu.memory_space<hbm>>
        tpu.wait_dma2 semaphore(%run_scoped3A : memref<!tpu.dma_semaphore, #tpu.memory_space<semaphore_mem>>) src(%dma_wait3A_21 : memref<5000xi32, #tpu.memory_space<hbm>>) dst(%arg16 : memref<5000xi32, #tpu.memory_space<vmem>>)
        tpu.yield
      }) : () -> ()
      "tpu.region"() ({
        %run_scoped3A = tpu.sem_alloc : memref<!tpu.dma_semaphore, #tpu.memory_space<semaphore_mem>>
        %dma_start3A = tpu.memref_slice %arg5[%mul3A_13] : memref<640000xi32, #tpu.memory_space<hbm>> -> memref<5000xi32, #tpu.memory_space<hbm>>
        %dma_start3A_20 = tpu.memref_slice %arg5[%mul3A_13] : memref<640000xi32, #tpu.memory_space<hbm>> -> memref<5000xi32, #tpu.memory_space<hbm>>
        tpu.enqueue_dma source(%dma_start3A_20 : memref<5000xi32, #tpu.memory_space<hbm>>) target(%arg17 : memref<5000xi32, #tpu.memory_space<vmem>>) target_semaphore(%run_scoped3A : memref<!tpu.dma_semaphore, #tpu.memory_space<semaphore_mem>>)
        %dma_wait3A = tpu.memref_slice %arg5[%mul3A_13] : memref<640000xi32, #tpu.memory_space<hbm>> -> memref<5000xi32, #tpu.memory_space<hbm>>
        %dma_wait3A_21 = tpu.memref_slice %arg5[%mul3A_13] : memref<640000xi32, #tpu.memory_space<hbm>> -> memref<5000xi32, #tpu.memory_space<hbm>>
        tpu.wait_dma2 semaphore(%run_scoped3A : memref<!tpu.dma_semaphore, #tpu.memory_space<semaphore_mem>>) src(%dma_wait3A_21 : memref<5000xi32, #tpu.memory_space<hbm>>) dst(%arg17 : memref<5000xi32, #tpu.memory_space<vmem>>)
        tpu.yield
      }) : () -> ()
      "tpu.region"() ({
        %run_scoped3A = tpu.sem_alloc : memref<!tpu.dma_semaphore, #tpu.memory_space<semaphore_mem>>
        %dma_start3A = tpu.memref_slice %arg6[%mul3A_13] : memref<640000xi32, #tpu.memory_space<hbm>> -> memref<5000xi32, #tpu.memory_space<hbm>>
        %dma_start3A_20 = tpu.memref_slice %arg6[%mul3A_13] : memref<640000xi32, #tpu.memory_space<hbm>> -> memref<5000xi32, #tpu.memory_space<hbm>>
        tpu.enqueue_dma source(%dma_start3A_20 : memref<5000xi32, #tpu.memory_space<hbm>>) target(%arg18 : memref<5000xi32, #tpu.memory_space<vmem>>) target_semaphore(%run_scoped3A : memref<!tpu.dma_semaphore, #tpu.memory_space<semaphore_mem>>)
        %dma_wait3A = tpu.memref_slice %arg6[%mul3A_13] : memref<640000xi32, #tpu.memory_space<hbm>> -> memref<5000xi32, #tpu.memory_space<hbm>>
        %dma_wait3A_21 = tpu.memref_slice %arg6[%mul3A_13] : memref<640000xi32, #tpu.memory_space<hbm>> -> memref<5000xi32, #tpu.memory_space<hbm>>
        tpu.wait_dma2 semaphore(%run_scoped3A : memref<!tpu.dma_semaphore, #tpu.memory_space<semaphore_mem>>) src(%dma_wait3A_21 : memref<5000xi32, #tpu.memory_space<hbm>>) dst(%arg18 : memref<5000xi32, #tpu.memory_space<vmem>>)
        tpu.yield
      }) : () -> ()
      "tpu.region"() ({
        %run_scoped3A = tpu.sem_alloc : memref<!tpu.dma_semaphore, #tpu.memory_space<semaphore_mem>>
        %dma_start3A = tpu.memref_slice %arg7[%mul3A_13] : memref<640000xi32, #tpu.memory_space<hbm>> -> memref<5000xi32, #tpu.memory_space<hbm>>
        %dma_start3A_20 = tpu.memref_slice %arg7[%mul3A_13] : memref<640000xi32, #tpu.memory_space<hbm>> -> memref<5000xi32, #tpu.memory_space<hbm>>
        tpu.enqueue_dma source(%dma_start3A_20 : memref<5000xi32, #tpu.memory_space<hbm>>) target(%arg19 : memref<5000xi32, #tpu.memory_space<vmem>>) target_semaphore(%run_scoped3A : memref<!tpu.dma_semaphore, #tpu.memory_space<semaphore_mem>>)
        %dma_wait3A = tpu.memref_slice %arg7[%mul3A_13] : memref<640000xi32, #tpu.memory_space<hbm>> -> memref<5000xi32, #tpu.memory_space<hbm>>
        %dma_wait3A_21 = tpu.memref_slice %arg7[%mul3A_13] : memref<640000xi32, #tpu.memory_space<hbm>> -> memref<5000xi32, #tpu.memory_space<hbm>>
        tpu.wait_dma2 semaphore(%run_scoped3A : memref<!tpu.dma_semaphore, #tpu.memory_space<semaphore_mem>>) src(%dma_wait3A_21 : memref<5000xi32, #tpu.memory_space<hbm>>) dst(%arg19 : memref<5000xi32, #tpu.memory_space<vmem>>)
        tpu.yield
      }) : () -> ()
      "tpu.region"() ({
        %run_scoped3A = tpu.sem_alloc : memref<!tpu.dma_semaphore, #tpu.memory_space<semaphore_mem>>
        %dma_start3A = tpu.memref_slice %arg8[%mul3A_13] : memref<640000xi32, #tpu.memory_space<hbm>> -> memref<5000xi32, #tpu.memory_space<hbm>>
        %dma_start3A_20 = tpu.memref_slice %arg8[%mul3A_13] : memref<640000xi32, #tpu.memory_space<hbm>> -> memref<5000xi32, #tpu.memory_space<hbm>>
        tpu.enqueue_dma source(%dma_start3A_20 : memref<5000xi32, #tpu.memory_space<hbm>>) target(%arg20 : memref<5000xi32, #tpu.memory_space<vmem>>) target_semaphore(%run_scoped3A : memref<!tpu.dma_semaphore, #tpu.memory_space<semaphore_mem>>)
        %dma_wait3A = tpu.memref_slice %arg8[%mul3A_13] : memref<640000xi32, #tpu.memory_space<hbm>> -> memref<5000xi32, #tpu.memory_space<hbm>>
        %dma_wait3A_21 = tpu.memref_slice %arg8[%mul3A_13] : memref<640000xi32, #tpu.memory_space<hbm>> -> memref<5000xi32, #tpu.memory_space<hbm>>
        tpu.wait_dma2 semaphore(%run_scoped3A : memref<!tpu.dma_semaphore, #tpu.memory_space<semaphore_mem>>) src(%dma_wait3A_21 : memref<5000xi32, #tpu.memory_space<hbm>>) dst(%arg20 : memref<5000xi32, #tpu.memory_space<vmem>>)
        tpu.yield
      }) : () -> ()
      "tpu.region"() ({
        %run_scoped3A = tpu.sem_alloc : memref<!tpu.dma_semaphore, #tpu.memory_space<semaphore_mem>>
        %dma_start3A = tpu.memref_slice %arg9[%mul3A_13] : memref<640000xi32, #tpu.memory_space<hbm>> -> memref<5000xi32, #tpu.memory_space<hbm>>
        %dma_start3A_20 = tpu.memref_slice %arg9[%mul3A_13] : memref<640000xi32, #tpu.memory_space<hbm>> -> memref<5000xi32, #tpu.memory_space<hbm>>
        tpu.enqueue_dma source(%dma_start3A_20 : memref<5000xi32, #tpu.memory_space<hbm>>) target(%arg21 : memref<5000xi32, #tpu.memory_space<vmem>>) target_semaphore(%run_scoped3A : memref<!tpu.dma_semaphore, #tpu.memory_space<semaphore_mem>>)
        %dma_wait3A = tpu.memref_slice %arg9[%mul3A_13] : memref<640000xi32, #tpu.memory_space<hbm>> -> memref<5000xi32, #tpu.memory_space<hbm>>
        %dma_wait3A_21 = tpu.memref_slice %arg9[%mul3A_13] : memref<640000xi32, #tpu.memory_space<hbm>> -> memref<5000xi32, #tpu.memory_space<hbm>>
        tpu.wait_dma2 semaphore(%run_scoped3A : memref<!tpu.dma_semaphore, #tpu.memory_space<semaphore_mem>>) src(%dma_wait3A_21 : memref<5000xi32, #tpu.memory_space<hbm>>) dst(%arg21 : memref<5000xi32, #tpu.memory_space<vmem>>)
        tpu.yield
      }) : () -> ()
      "tpu.region"() ({
        %run_scoped3A = tpu.sem_alloc : memref<!tpu.dma_semaphore, #tpu.memory_space<semaphore_mem>>
        %dma_start3A = tpu.memref_slice %arg10[%mul3A_13] : memref<640000xi32, #tpu.memory_space<hbm>> -> memref<5000xi32, #tpu.memory_space<hbm>>
        %dma_start3A_20 = tpu.memref_slice %arg10[%mul3A_13] : memref<640000xi32, #tpu.memory_space<hbm>> -> memref<5000xi32, #tpu.memory_space<hbm>>
        tpu.enqueue_dma source(%dma_start3A_20 : memref<5000xi32, #tpu.memory_space<hbm>>) target(%arg22 : memref<5000xi32, #tpu.memory_space<vmem>>) target_semaphore(%run_scoped3A : memref<!tpu.dma_semaphore, #tpu.memory_space<semaphore_mem>>)
        %dma_wait3A = tpu.memref_slice %arg10[%mul3A_13] : memref<640000xi32, #tpu.memory_space<hbm>> -> memref<5000xi32, #tpu.memory_space<hbm>>
        %dma_wait3A_21 = tpu.memref_slice %arg10[%mul3A_13] : memref<640000xi32, #tpu.memory_space<hbm>> -> memref<5000xi32, #tpu.memory_space<hbm>>
        tpu.wait_dma2 semaphore(%run_scoped3A : memref<!tpu.dma_semaphore, #tpu.memory_space<semaphore_mem>>) src(%dma_wait3A_21 : memref<5000xi32, #tpu.memory_space<hbm>>) dst(%arg22 : memref<5000xi32, #tpu.memory_space<vmem>>)
        tpu.yield
      }) : () -> ()
      "tpu.region"() ({
        %run_scoped3A = tpu.sem_alloc : memref<!tpu.dma_semaphore, #tpu.memory_space<semaphore_mem>>
        %dma_start3A = tpu.memref_slice %arg11[%mul3A_13] : memref<640000xi32, #tpu.memory_space<hbm>> -> memref<5000xi32, #tpu.memory_space<hbm>>
        %dma_start3A_20 = tpu.memref_slice %arg11[%mul3A_13] : memref<640000xi32, #tpu.memory_space<hbm>> -> memref<5000xi32, #tpu.memory_space<hbm>>
        tpu.enqueue_dma source(%dma_start3A_20 : memref<5000xi32, #tpu.memory_space<hbm>>) target(%arg23 : memref<5000xi32, #tpu.memory_space<vmem>>) target_semaphore(%run_scoped3A : memref<!tpu.dma_semaphore, #tpu.memory_space<semaphore_mem>>)
        %dma_wait3A = tpu.memref_slice %arg11[%mul3A_13] : memref<640000xi32, #tpu.memory_space<hbm>> -> memref<5000xi32, #tpu.memory_space<hbm>>
        %dma_wait3A_21 = tpu.memref_slice %arg11[%mul3A_13] : memref<640000xi32, #tpu.memory_space<hbm>> -> memref<5000xi32, #tpu.memory_space<hbm>>
        tpu.wait_dma2 semaphore(%run_scoped3A : memref<!tpu.dma_semaphore, #tpu.memory_space<semaphore_mem>>) src(%dma_wait3A_21 : memref<5000xi32, #tpu.memory_space<hbm>>) dst(%arg23 : memref<5000xi32, #tpu.memory_space<vmem>>)
        tpu.yield
      }) : () -> ()
      "tpu.region"() ({
        %run_scoped3A = tpu.sem_alloc : memref<!tpu.dma_semaphore, #tpu.memory_space<semaphore_mem>>
        %dma_start3A = tpu.memref_slice %arg12[%mul3A_13] : memref<640000xi32, #tpu.memory_space<hbm>> -> memref<5000xi32, #tpu.memory_space<hbm>>
        %dma_start3A_20 = tpu.memref_slice %arg12[%mul3A_13] : memref<640000xi32, #tpu.memory_space<hbm>> -> memref<5000xi32, #tpu.memory_space<hbm>>
        tpu.enqueue_dma source(%dma_start3A_20 : memref<5000xi32, #tpu.memory_space<hbm>>) target(%arg24 : memref<5000xi32, #tpu.memory_space<vmem>>) target_semaphore(%run_scoped3A : memref<!tpu.dma_semaphore, #tpu.memory_space<semaphore_mem>>)
        %dma_wait3A = tpu.memref_slice %arg12[%mul3A_13] : memref<640000xi32, #tpu.memory_space<hbm>> -> memref<5000xi32, #tpu.memory_space<hbm>>
        %dma_wait3A_21 = tpu.memref_slice %arg12[%mul3A_13] : memref<640000xi32, #tpu.memory_space<hbm>> -> memref<5000xi32, #tpu.memory_space<hbm>>
        tpu.wait_dma2 semaphore(%run_scoped3A : memref<!tpu.dma_semaphore, #tpu.memory_space<semaphore_mem>>) src(%dma_wait3A_21 : memref<5000xi32, #tpu.memory_space<hbm>>) dst(%arg24 : memref<5000xi32, #tpu.memory_space<vmem>>)
        tpu.yield
      }) : () -> ()
      %scan3A_14 = arith.constant 0 : i32
      %scan3A_15 = arith.constant 0 : i32
      %scan3A_16 = arith.constant 8 : i32
      %scan3A_17 = arith.addi %scan3A_15, %scan3A_16 : i32
      %scan3A_18 = arith.constant 1 : i32
      scf.for %scan3A_20 = %scan3A_15 to %scan3A_17 step %scan3A_18  : i32 {
        %mul3A_21 = arith.constant 625 : i32
        %mul3A_22 = arith.muli %scan3A_20, %mul3A_21 : i32
        %scan3A_23 = arith.constant 0 : i32
        %scan3A_24 = arith.constant 0 : i32
        %scan3A_25 = arith.constant 40 : i32
        %scan3A_26 = arith.addi %scan3A_24, %scan3A_25 : i32
        %scan3A_27 = arith.constant 1 : i32
        scf.for %scan3A_30 = %scan3A_24 to %scan3A_26 step %scan3A_27  : i32 {
          %mul3A_31 = arith.constant 16 : i32
          %mul3A_32 = arith.muli %scan3A_30, %mul3A_31 : i32
          %min3A = arith.constant 609 : i32
          %min3A_33 = arith.minsi %mul3A_32, %min3A : i32
          %add3A_34 = arith.addi %mul3A_22, %min3A_33 : i32
          %add3A_35 = vector.broadcast %add3A_34 : i32 to vector<16xi32>
          %add3A_36 = arith.addi %iota3A, %add3A_35 : vector<16xi32>
          %gather3A = tpu.vector_load_idx %arg16[%add3A_36] : memref<5000xi32, #tpu.memory_space<vmem>>[vector<16xi32>], vector<16xi32>,
          %gather3A_37 = tpu.vector_load_idx %arg17[%add3A_36] : memref<5000xi32, #tpu.memory_space<vmem>>[vector<16xi32>], vector<16xi32>,
          %gather3A_38 = tpu.vector_load_idx %arg18[%add3A_36] : memref<5000xi32, #tpu.memory_space<vmem>>[vector<16xi32>], vector<16xi32>,
          %gather3A_39 = tpu.vector_load_idx %arg19[%add3A_36] : memref<5000xi32, #tpu.memory_space<vmem>>[vector<16xi32>], vector<16xi32>,
          %gather3A_40 = tpu.vector_load_idx %arg20[%add3A_36] : memref<5000xi32, #tpu.memory_space<vmem>>[vector<16xi32>], vector<16xi32>,
          %gather3A_41 = tpu.vector_load_idx %arg21[%add3A_36] : memref<5000xi32, #tpu.memory_space<vmem>>[vector<16xi32>], vector<16xi32>,
          %gather3A_42 = tpu.vector_load_idx %arg22[%add3A_36] : memref<5000xi32, #tpu.memory_space<vmem>>[vector<16xi32>], vector<16xi32>,
          %gather3A_43 = tpu.vector_load_idx %arg23[%add3A_36] : memref<5000xi32, #tpu.memory_space<vmem>>[vector<16xi32>], vector<16xi32>,
          %gather3A_44 = tpu.vector_load_idx %arg24[%add3A_36] : memref<5000xi32, #tpu.memory_space<vmem>>[vector<16xi32>], vector<16xi32>,
          %mul3A_45 = arith.constant 5 : i32
          %mul3A_46 = vector.broadcast %mul3A_45 : i32 to vector<16xi32>
          %mul3A_47 = arith.muli %gather3A, %mul3A_46 : vector<16xi32>
          %add3A_48 = arith.addi %mul3A_47, %gather3A_37 : vector<16xi32>
          %mul3A_49 = arith.constant 4 : i32
          %mul3A_50 = vector.broadcast %mul3A_49 : i32 to vector<16xi32>
          %mul3A_51 = arith.muli %add3A_48, %mul3A_50 : vector<16xi32>
          %add3A_52 = arith.addi %mul3A_51, %gather3A_38 : vector<16xi32>
          %mul3A_53 = arith.constant 4 : i32
          %mul3A_54 = vector.broadcast %mul3A_53 : i32 to vector<16xi32>
          %mul3A_55 = arith.muli %add3A_52, %mul3A_54 : vector<16xi32>
          %add3A_56 = arith.addi %mul3A_55, %gather3A_39 : vector<16xi32>
          %mul3A_57 = arith.constant 4 : i32
          %mul3A_58 = vector.broadcast %mul3A_57 : i32 to vector<16xi32>
          %mul3A_59 = arith.muli %gather3A_40, %mul3A_58 : vector<16xi32>
          %add3A_60 = arith.addi %mul3A_59, %gather3A_41 : vector<16xi32>
          %mul3A_61 = arith.constant 3 : i32
          %mul3A_62 = vector.broadcast %mul3A_61 : i32 to vector<16xi32>
          %mul3A_63 = arith.muli %add3A_60, %mul3A_62 : vector<16xi32>
          %add3A_64 = arith.addi %mul3A_63, %gather3A_42 : vector<16xi32>
          %mul3A_65 = arith.constant 3 : i32
          %mul3A_66 = vector.broadcast %mul3A_65 : i32 to vector<16xi32>
          %mul3A_67 = arith.muli %add3A_64, %mul3A_66 : vector<16xi32>
          %add3A_68 = arith.addi %mul3A_67, %gather3A_43 : vector<16xi32>
          %mul3A_69 = arith.constant 8 : i32
          %mul3A_70 = vector.broadcast %mul3A_69 : i32 to vector<16xi32>
          %mul3A_71 = arith.muli %add3A_68, %mul3A_70 : vector<16xi32>
          %add3A_72 = arith.addi %mul3A_71, %gather3A_44 : vector<16xi32>
          %mul3A_73 = arith.constant 16 : i32
          %mul3A_74 = vector.broadcast %mul3A_73 : i32 to vector<16xi32>
          %mul3A_75 = arith.muli %add3A_56, %mul3A_74 : vector<16xi32>
          %mul3A_76 = arith.constant 16 : i32
          %mul3A_77 = vector.broadcast %mul3A_76 : i32 to vector<16xi32>
          %mul3A_78 = arith.muli %add3A_72, %mul3A_77 : vector<16xi32>
          %add3A_79 = vector.broadcast %min3A_33 : i32 to vector<16xi32>
          %add3A_80 = arith.addi %iota3A, %add3A_79 : vector<16xi32>
          %add3A_81 = arith.constant 0 : i32
          %add3A_82 = vector.broadcast %add3A_81 : i32 to vector<16xi32>
          %add3A_83 = arith.addi %mul3A_75, %add3A_82 : vector<16xi32>
          %gather3A_84 = tpu.vector_load_idx %arg14[%add3A_83] : memref<7680xf32, #tpu.memory_space<vmem>>[vector<16xi32>], vector<16xf32>,
          %add3A_85 = arith.constant 0 : i32
          %add3A_86 = vector.broadcast %add3A_85 : i32 to vector<16xi32>
          %add3A_87 = arith.addi %mul3A_78, %add3A_86 : vector<16xi32>
          %gather3A_88 = tpu.vector_load_idx %arg15[%add3A_87] : memref<18432xf32, #tpu.memory_space<vmem>>[vector<16xi32>], vector<16xf32>,
          %add3A_89 = arith.addf %gather3A_84, %gather3A_88 : vector<16xf32>
          %add3A_90 = arith.constant 0 : i32
          %add3A_91 = vector.broadcast %add3A_90 : i32 to vector<16xi32>
          %add3A_92 = arith.addi %add3A_80, %add3A_91 : vector<16xi32>
          tpu.vector_store_idx %arg25[%add3A_92], %add3A_89 : memref<10000xf32, #tpu.memory_space<vmem>>[vector<16xi32>], vector<16xf32>,
          %add3A_93 = arith.constant 1 : i32
          %add3A_94 = vector.broadcast %add3A_93 : i32 to vector<16xi32>
          %add3A_95 = arith.addi %mul3A_75, %add3A_94 : vector<16xi32>
          %gather3A_96 = tpu.vector_load_idx %arg14[%add3A_95] : memref<7680xf32, #tpu.memory_space<vmem>>[vector<16xi32>], vector<16xf32>,
          %add3A_97 = arith.constant 1 : i32
          %add3A_98 = vector.broadcast %add3A_97 : i32 to vector<16xi32>
          %add3A_99 = arith.addi %mul3A_78, %add3A_98 : vector<16xi32>
          %gather3A_100 = tpu.vector_load_idx %arg15[%add3A_99] : memref<18432xf32, #tpu.memory_space<vmem>>[vector<16xi32>], vector<16xf32>,
          %add3A_101 = arith.addf %gather3A_96, %gather3A_100 : vector<16xf32>
          %add3A_102 = arith.constant 625 : i32
          %add3A_103 = vector.broadcast %add3A_102 : i32 to vector<16xi32>
          %add3A_104 = arith.addi %add3A_80, %add3A_103 : vector<16xi32>
          tpu.vector_store_idx %arg25[%add3A_104], %add3A_101 : memref<10000xf32, #tpu.memory_space<vmem>>[vector<16xi32>], vector<16xf32>,
          %add3A_105 = arith.constant 2 : i32
          %add3A_106 = vector.broadcast %add3A_105 : i32 to vector<16xi32>
          %add3A_107 = arith.addi %mul3A_75, %add3A_106 : vector<16xi32>
          %gather3A_108 = tpu.vector_load_idx %arg14[%add3A_107] : memref<7680xf32, #tpu.memory_space<vmem>>[vector<16xi32>], vector<16xf32>,
          %add3A_109 = arith.constant 2 : i32
          %add3A_110 = vector.broadcast %add3A_109 : i32 to vector<16xi32>
          %add3A_111 = arith.addi %mul3A_78, %add3A_110 : vector<16xi32>
          %gather3A_112 = tpu.vector_load_idx %arg15[%add3A_111] : memref<18432xf32, #tpu.memory_space<vmem>>[vector<16xi32>], vector<16xf32>,
          %add3A_113 = arith.addf %gather3A_108, %gather3A_112 : vector<16xf32>
          %add3A_114 = arith.constant 1250 : i32
          %add3A_115 = vector.broadcast %add3A_114 : i32 to vector<16xi32>
          %add3A_116 = arith.addi %add3A_80, %add3A_115 : vector<16xi32>
          tpu.vector_store_idx %arg25[%add3A_116], %add3A_113 : memref<10000xf32, #tpu.memory_space<vmem>>[vector<16xi32>], vector<16xf32>,
          %add3A_117 = arith.constant 3 : i32
          %add3A_118 = vector.broadcast %add3A_117 : i32 to vector<16xi32>
          %add3A_119 = arith.addi %mul3A_75, %add3A_118 : vector<16xi32>
          %gather3A_120 = tpu.vector_load_idx %arg14[%add3A_119] : memref<7680xf32, #tpu.memory_space<vmem>>[vector<16xi32>], vector<16xf32>,
          %add3A_121 = arith.constant 3 : i32
          %add3A_122 = vector.broadcast %add3A_121 : i32 to vector<16xi32>
          %add3A_123 = arith.addi %mul3A_78, %add3A_122 : vector<16xi32>
          %gather3A_124 = tpu.vector_load_idx %arg15[%add3A_123] : memref<18432xf32, #tpu.memory_space<vmem>>[vector<16xi32>], vector<16xf32>,
          %add3A_125 = arith.addf %gather3A_120, %gather3A_124 : vector<16xf32>
          %add3A_126 = arith.constant 1875 : i32
          %add3A_127 = vector.broadcast %add3A_126 : i32 to vector<16xi32>
          %add3A_128 = arith.addi %add3A_80, %add3A_127 : vector<16xi32>
          tpu.vector_store_idx %arg25[%add3A_128], %add3A_125 : memref<10000xf32, #tpu.memory_space<vmem>>[vector<16xi32>], vector<16xf32>,
          %add3A_129 = arith.constant 4 : i32
          %add3A_130 = vector.broadcast %add3A_129 : i32 to vector<16xi32>
          %add3A_131 = arith.addi %mul3A_75, %add3A_130 : vector<16xi32>
          %gather3A_132 = tpu.vector_load_idx %arg14[%add3A_131] : memref<7680xf32, #tpu.memory_space<vmem>>[vector<16xi32>], vector<16xf32>,
          %add3A_133 = arith.constant 4 : i32
          %add3A_134 = vector.broadcast %add3A_133 : i32 to vector<16xi32>
          %add3A_135 = arith.addi %mul3A_78, %add3A_134 : vector<16xi32>
          %gather3A_136 = tpu.vector_load_idx %arg15[%add3A_135] : memref<18432xf32, #tpu.memory_space<vmem>>[vector<16xi32>], vector<16xf32>,
          %add3A_137 = arith.addf %gather3A_132, %gather3A_136 : vector<16xf32>
          %add3A_138 = arith.constant 2500 : i32
          %add3A_139 = vector.broadcast %add3A_138 : i32 to vector<16xi32>
          %add3A_140 = arith.addi %add3A_80, %add3A_139 : vector<16xi32>
          tpu.vector_store_idx %arg25[%add3A_140], %add3A_137 : memref<10000xf32, #tpu.memory_space<vmem>>[vector<16xi32>], vector<16xf32>,
          %add3A_141 = arith.constant 5 : i32
          %add3A_142 = vector.broadcast %add3A_141 : i32 to vector<16xi32>
          %add3A_143 = arith.addi %mul3A_75, %add3A_142 : vector<16xi32>
          %gather3A_144 = tpu.vector_load_idx %arg14[%add3A_143] : memref<7680xf32, #tpu.memory_space<vmem>>[vector<16xi32>], vector<16xf32>,
          %add3A_145 = arith.constant 5 : i32
          %add3A_146 = vector.broadcast %add3A_145 : i32 to vector<16xi32>
          %add3A_147 = arith.addi %mul3A_78, %add3A_146 : vector<16xi32>
          %gather3A_148 = tpu.vector_load_idx %arg15[%add3A_147] : memref<18432xf32, #tpu.memory_space<vmem>>[vector<16xi32>], vector<16xf32>,
          %add3A_149 = arith.addf %gather3A_144, %gather3A_148 : vector<16xf32>
          %add3A_150 = arith.constant 3125 : i32
          %add3A_151 = vector.broadcast %add3A_150 : i32 to vector<16xi32>
          %add3A_152 = arith.addi %add3A_80, %add3A_151 : vector<16xi32>
          tpu.vector_store_idx %arg25[%add3A_152], %add3A_149 : memref<10000xf32, #tpu.memory_space<vmem>>[vector<16xi32>], vector<16xf32>,
          %add3A_153 = arith.constant 6 : i32
          %add3A_154 = vector.broadcast %add3A_153 : i32 to vector<16xi32>
          %add3A_155 = arith.addi %mul3A_75, %add3A_154 : vector<16xi32>
          %gather3A_156 = tpu.vector_load_idx %arg14[%add3A_155] : memref<7680xf32, #tpu.memory_space<vmem>>[vector<16xi32>], vector<16xf32>,
          %add3A_157 = arith.constant 6 : i32
          %add3A_158 = vector.broadcast %add3A_157 : i32 to vector<16xi32>
          %add3A_159 = arith.addi %mul3A_78, %add3A_158 : vector<16xi32>
          %gather3A_160 = tpu.vector_load_idx %arg15[%add3A_159] : memref<18432xf32, #tpu.memory_space<vmem>>[vector<16xi32>], vector<16xf32>,
          %add3A_161 = arith.addf %gather3A_156, %gather3A_160 : vector<16xf32>
          %add3A_162 = arith.constant 3750 : i32
          %add3A_163 = vector.broadcast %add3A_162 : i32 to vector<16xi32>
          %add3A_164 = arith.addi %add3A_80, %add3A_163 : vector<16xi32>
          tpu.vector_store_idx %arg25[%add3A_164], %add3A_161 : memref<10000xf32, #tpu.memory_space<vmem>>[vector<16xi32>], vector<16xf32>,
          %add3A_165 = arith.constant 7 : i32
          %add3A_166 = vector.broadcast %add3A_165 : i32 to vector<16xi32>
          %add3A_167 = arith.addi %mul3A_75, %add3A_166 : vector<16xi32>
          %gather3A_168 = tpu.vector_load_idx %arg14[%add3A_167] : memref<7680xf32, #tpu.memory_space<vmem>>[vector<16xi32>], vector<16xf32>,
          %add3A_169 = arith.constant 7 : i32
          %add3A_170 = vector.broadcast %add3A_169 : i32 to vector<16xi32>
          %add3A_171 = arith.addi %mul3A_78, %add3A_170 : vector<16xi32>
          %gather3A_172 = tpu.vector_load_idx %arg15[%add3A_171] : memref<18432xf32, #tpu.memory_space<vmem>>[vector<16xi32>], vector<16xf32>,
          %add3A_173 = arith.addf %gather3A_168, %gather3A_172 : vector<16xf32>
          %add3A_174 = arith.constant 4375 : i32
          %add3A_175 = vector.broadcast %add3A_174 : i32 to vector<16xi32>
          %add3A_176 = arith.addi %add3A_80, %add3A_175 : vector<16xi32>
          tpu.vector_store_idx %arg25[%add3A_176], %add3A_173 : memref<10000xf32, #tpu.memory_space<vmem>>[vector<16xi32>], vector<16xf32>,
          %add3A_177 = arith.constant 8 : i32
          %add3A_178 = vector.broadcast %add3A_177 : i32 to vector<16xi32>
          %add3A_179 = arith.addi %mul3A_75, %add3A_178 : vector<16xi32>
          %gather3A_180 = tpu.vector_load_idx %arg14[%add3A_179] : memref<7680xf32, #tpu.memory_space<vmem>>[vector<16xi32>], vector<16xf32>,
          %add3A_181 = arith.constant 8 : i32
          %add3A_182 = vector.broadcast %add3A_181 : i32 to vector<16xi32>
          %add3A_183 = arith.addi %mul3A_78, %add3A_182 : vector<16xi32>
          %gather3A_184 = tpu.vector_load_idx %arg15[%add3A_183] : memref<18432xf32, #tpu.memory_space<vmem>>[vector<16xi32>], vector<16xf32>,
          %add3A_185 = arith.addf %gather3A_180, %gather3A_184 : vector<16xf32>
          %add3A_186 = arith.constant 5000 : i32
          %add3A_187 = vector.broadcast %add3A_186 : i32 to vector<16xi32>
          %add3A_188 = arith.addi %add3A_80, %add3A_187 : vector<16xi32>
          tpu.vector_store_idx %arg25[%add3A_188], %add3A_185 : memref<10000xf32, #tpu.memory_space<vmem>>[vector<16xi32>], vector<16xf32>,
          %add3A_189 = arith.constant 9 : i32
          %add3A_190 = vector.broadcast %add3A_189 : i32 to vector<16xi32>
          %add3A_191 = arith.addi %mul3A_75, %add3A_190 : vector<16xi32>
          %gather3A_192 = tpu.vector_load_idx %arg14[%add3A_191] : memref<7680xf32, #tpu.memory_space<vmem>>[vector<16xi32>], vector<16xf32>,
          %add3A_193 = arith.constant 9 : i32
          %add3A_194 = vector.broadcast %add3A_193 : i32 to vector<16xi32>
          %add3A_195 = arith.addi %mul3A_78, %add3A_194 : vector<16xi32>
          %gather3A_196 = tpu.vector_load_idx %arg15[%add3A_195] : memref<18432xf32, #tpu.memory_space<vmem>>[vector<16xi32>], vector<16xf32>,
          %add3A_197 = arith.addf %gather3A_192, %gather3A_196 : vector<16xf32>
          %add3A_198 = arith.constant 5625 : i32
          %add3A_199 = vector.broadcast %add3A_198 : i32 to vector<16xi32>
          %add3A_200 = arith.addi %add3A_80, %add3A_199 : vector<16xi32>
          tpu.vector_store_idx %arg25[%add3A_200], %add3A_197 : memref<10000xf32, #tpu.memory_space<vmem>>[vector<16xi32>], vector<16xf32>,
          %add3A_201 = arith.constant 10 : i32
          %add3A_202 = vector.broadcast %add3A_201 : i32 to vector<16xi32>
          %add3A_203 = arith.addi %mul3A_75, %add3A_202 : vector<16xi32>
          %gather3A_204 = tpu.vector_load_idx %arg14[%add3A_203] : memref<7680xf32, #tpu.memory_space<vmem>>[vector<16xi32>], vector<16xf32>,
          %add3A_205 = arith.constant 10 : i32
          %add3A_206 = vector.broadcast %add3A_205 : i32 to vector<16xi32>
          %add3A_207 = arith.addi %mul3A_78, %add3A_206 : vector<16xi32>
          %gather3A_208 = tpu.vector_load_idx %arg15[%add3A_207] : memref<18432xf32, #tpu.memory_space<vmem>>[vector<16xi32>], vector<16xf32>,
          %add3A_209 = arith.addf %gather3A_204, %gather3A_208 : vector<16xf32>
          %add3A_210 = arith.constant 6250 : i32
          %add3A_211 = vector.broadcast %add3A_210 : i32 to vector<16xi32>
          %add3A_212 = arith.addi %add3A_80, %add3A_211 : vector<16xi32>
          tpu.vector_store_idx %arg25[%add3A_212], %add3A_209 : memref<10000xf32, #tpu.memory_space<vmem>>[vector<16xi32>], vector<16xf32>,
          %add3A_213 = arith.constant 11 : i32
          %add3A_214 = vector.broadcast %add3A_213 : i32 to vector<16xi32>
          %add3A_215 = arith.addi %mul3A_75, %add3A_214 : vector<16xi32>
          %gather3A_216 = tpu.vector_load_idx %arg14[%add3A_215] : memref<7680xf32, #tpu.memory_space<vmem>>[vector<16xi32>], vector<16xf32>,
          %add3A_217 = arith.constant 11 : i32
          %add3A_218 = vector.broadcast %add3A_217 : i32 to vector<16xi32>
          %add3A_219 = arith.addi %mul3A_78, %add3A_218 : vector<16xi32>
          %gather3A_220 = tpu.vector_load_idx %arg15[%add3A_219] : memref<18432xf32, #tpu.memory_space<vmem>>[vector<16xi32>], vector<16xf32>,
          %add3A_221 = arith.addf %gather3A_216, %gather3A_220 : vector<16xf32>
          %add3A_222 = arith.constant 6875 : i32
          %add3A_223 = vector.broadcast %add3A_222 : i32 to vector<16xi32>
          %add3A_224 = arith.addi %add3A_80, %add3A_223 : vector<16xi32>
          tpu.vector_store_idx %arg25[%add3A_224], %add3A_221 : memref<10000xf32, #tpu.memory_space<vmem>>[vector<16xi32>], vector<16xf32>,
          %add3A_225 = arith.constant 12 : i32
          %add3A_226 = vector.broadcast %add3A_225 : i32 to vector<16xi32>
          %add3A_227 = arith.addi %mul3A_75, %add3A_226 : vector<16xi32>
          %gather3A_228 = tpu.vector_load_idx %arg14[%add3A_227] : memref<7680xf32, #tpu.memory_space<vmem>>[vector<16xi32>], vector<16xf32>,
          %add3A_229 = arith.constant 12 : i32
          %add3A_230 = vector.broadcast %add3A_229 : i32 to vector<16xi32>
          %add3A_231 = arith.addi %mul3A_78, %add3A_230 : vector<16xi32>
          %gather3A_232 = tpu.vector_load_idx %arg15[%add3A_231] : memref<18432xf32, #tpu.memory_space<vmem>>[vector<16xi32>], vector<16xf32>,
          %add3A_233 = arith.addf %gather3A_228, %gather3A_232 : vector<16xf32>
          %add3A_234 = arith.constant 7500 : i32
          %add3A_235 = vector.broadcast %add3A_234 : i32 to vector<16xi32>
          %add3A_236 = arith.addi %add3A_80, %add3A_235 : vector<16xi32>
          tpu.vector_store_idx %arg25[%add3A_236], %add3A_233 : memref<10000xf32, #tpu.memory_space<vmem>>[vector<16xi32>], vector<16xf32>,
          %add3A_237 = arith.constant 13 : i32
          %add3A_238 = vector.broadcast %add3A_237 : i32 to vector<16xi32>
          %add3A_239 = arith.addi %mul3A_75, %add3A_238 : vector<16xi32>
          %gather3A_240 = tpu.vector_load_idx %arg14[%add3A_239] : memref<7680xf32, #tpu.memory_space<vmem>>[vector<16xi32>], vector<16xf32>,
          %add3A_241 = arith.constant 13 : i32
          %add3A_242 = vector.broadcast %add3A_241 : i32 to vector<16xi32>
          %add3A_243 = arith.addi %mul3A_78, %add3A_242 : vector<16xi32>
          %gather3A_244 = tpu.vector_load_idx %arg15[%add3A_243] : memref<18432xf32, #tpu.memory_space<vmem>>[vector<16xi32>], vector<16xf32>,
          %add3A_245 = arith.addf %gather3A_240, %gather3A_244 : vector<16xf32>
          %add3A_246 = arith.constant 8125 : i32
          %add3A_247 = vector.broadcast %add3A_246 : i32 to vector<16xi32>
          %add3A_248 = arith.addi %add3A_80, %add3A_247 : vector<16xi32>
          tpu.vector_store_idx %arg25[%add3A_248], %add3A_245 : memref<10000xf32, #tpu.memory_space<vmem>>[vector<16xi32>], vector<16xf32>,
          %add3A_249 = arith.constant 14 : i32
          %add3A_250 = vector.broadcast %add3A_249 : i32 to vector<16xi32>
          %add3A_251 = arith.addi %mul3A_75, %add3A_250 : vector<16xi32>
          %gather3A_252 = tpu.vector_load_idx %arg14[%add3A_251] : memref<7680xf32, #tpu.memory_space<vmem>>[vector<16xi32>], vector<16xf32>,
          %add3A_253 = arith.constant 14 : i32
          %add3A_254 = vector.broadcast %add3A_253 : i32 to vector<16xi32>
          %add3A_255 = arith.addi %mul3A_78, %add3A_254 : vector<16xi32>
          %gather3A_256 = tpu.vector_load_idx %arg15[%add3A_255] : memref<18432xf32, #tpu.memory_space<vmem>>[vector<16xi32>], vector<16xf32>,
          %add3A_257 = arith.addf %gather3A_252, %gather3A_256 : vector<16xf32>
          %add3A_258 = arith.constant 8750 : i32
          %add3A_259 = vector.broadcast %add3A_258 : i32 to vector<16xi32>
          %add3A_260 = arith.addi %add3A_80, %add3A_259 : vector<16xi32>
          tpu.vector_store_idx %arg25[%add3A_260], %add3A_257 : memref<10000xf32, #tpu.memory_space<vmem>>[vector<16xi32>], vector<16xf32>,
          %add3A_261 = arith.constant 15 : i32
          %add3A_262 = vector.broadcast %add3A_261 : i32 to vector<16xi32>
          %add3A_263 = arith.addi %mul3A_75, %add3A_262 : vector<16xi32>
          %gather3A_264 = tpu.vector_load_idx %arg14[%add3A_263] : memref<7680xf32, #tpu.memory_space<vmem>>[vector<16xi32>], vector<16xf32>,
          %add3A_265 = arith.constant 15 : i32
          %add3A_266 = vector.broadcast %add3A_265 : i32 to vector<16xi32>
          %add3A_267 = arith.addi %mul3A_78, %add3A_266 : vector<16xi32>
          %gather3A_268 = tpu.vector_load_idx %arg15[%add3A_267] : memref<18432xf32, #tpu.memory_space<vmem>>[vector<16xi32>], vector<16xf32>,
          %add3A_269 = arith.addf %gather3A_264, %gather3A_268 : vector<16xf32>
          %add3A_270 = arith.constant 9375 : i32
          %add3A_271 = vector.broadcast %add3A_270 : i32 to vector<16xi32>
          %add3A_272 = arith.addi %add3A_80, %add3A_271 : vector<16xi32>
          tpu.vector_store_idx %arg25[%add3A_272], %add3A_269 : memref<10000xf32, #tpu.memory_space<vmem>>[vector<16xi32>], vector<16xf32>,
        }
        %scan3A_28 = arith.constant 40 : i32
        %add3A_29 = arith.addi %add3A_11, %scan3A_20 : i32
        "tpu.region"() ({
          %run_scoped3A = tpu.sem_alloc : memref<!tpu.dma_semaphore, #tpu.memory_space<semaphore_mem>>
          %dma_start3A = arith.constant 0 : i32
          %dma_start3A_30 = tpu.memref_slice %arg13[%add3A_29, %dma_start3A] : memref<1024x10000xf32, #tpu.memory_space<hbm>> -> memref<1x10000xf32, #tpu.memory_space<hbm>>
          %dma_start3A_31 = tpu.memref_squeeze %dma_start3A_30 : memref<1x10000xf32, #tpu.memory_space<hbm>> -> memref<10000xf32, #tpu.memory_space<hbm>>
          %dma_start3A_32 = arith.constant 0 : i32
          %dma_start3A_33 = tpu.memref_slice %arg13[%add3A_29, %dma_start3A_32] : memref<1024x10000xf32, #tpu.memory_space<hbm>> -> memref<1x10000xf32, #tpu.memory_space<hbm>>
          %dma_start3A_34 = tpu.memref_squeeze %dma_start3A_33 : memref<1x10000xf32, #tpu.memory_space<hbm>> -> memref<10000xf32, #tpu.memory_space<hbm>>
          tpu.enqueue_dma source(%arg25 : memref<10000xf32, #tpu.memory_space<vmem>>) target(%dma_start3A_34 : memref<10000xf32, #tpu.memory_space<hbm>>) target_semaphore(%run_scoped3A : memref<!tpu.dma_semaphore, #tpu.memory_space<semaphore_mem>>)
          %dma_wait3A = arith.constant 0 : i32
          %dma_wait3A_35 = tpu.memref_slice %arg13[%add3A_29, %dma_wait3A] : memref<1024x10000xf32, #tpu.memory_space<hbm>> -> memref<1x10000xf32, #tpu.memory_space<hbm>>
          %dma_wait3A_36 = tpu.memref_squeeze %dma_wait3A_35 : memref<1x10000xf32, #tpu.memory_space<hbm>> -> memref<10000xf32, #tpu.memory_space<hbm>>
          %dma_wait3A_37 = arith.constant 0 : i32
          %dma_wait3A_38 = tpu.memref_slice %arg13[%add3A_29, %dma_wait3A_37] : memref<1024x10000xf32, #tpu.memory_space<hbm>> -> memref<1x10000xf32, #tpu.memory_space<hbm>>
          %dma_wait3A_39 = tpu.memref_squeeze %dma_wait3A_38 : memref<1x10000xf32, #tpu.memory_space<hbm>> -> memref<10000xf32, #tpu.memory_space<hbm>>
          tpu.wait_dma2 semaphore(%run_scoped3A : memref<!tpu.dma_semaphore, #tpu.memory_space<semaphore_mem>>) src(%arg25 : memref<10000xf32, #tpu.memory_space<vmem>>) dst(%dma_wait3A_39 : memref<10000xf32, #tpu.memory_space<hbm>>)
          tpu.yield
        }) : () -> ()
      }
      %scan3A_19 = arith.constant 8 : i32
    }
    %scan3A_5 = arith.constant 4 : i32
    return
  }
}

</mosaic_0001>

<sc_bundles>
// kernel: _sc_call.3.cloned.1.call-start
scs
__scs_entry_jumppad:
0x0: {  	(pc) =	sbr.rel $0x88, $3  }
0x1: {  	(tag) =	ssettag $0x0;
	lr =	simm.s32 $0x1  }
0x2: {  	[smem:$0x3F96] =	sst lr;
	_ =	strace $0xD0000000  }
0x3: {  	_ = 	snop  }
0x4: {  	_ = 	snop  }
0x5: {  	_ = 	snop  }
0x6: {  	_ = 	snop  }
0x7: {  	_ = 	snop  }
__scs_overlays_trampoline_lowered:
0x8: {  	[smem:$0x3FA5] =	sst s0  }
0x9: {  	[smem:$0x3FA6] =	sst s1  }
0xa: {  	[smem:$0x3FA7] =	sst s2  }
0xb: {  	[smem:$0x3FA8] =	sst s3  }
0xc: {  	[smem:$0x3FA9] =	sst s4  }
0xd: {  	[smem:$0x3FAA] =	sst s5  }
0xe: {  	[smem:$0x3FAB] =	sst s6  }
0xf: {  	[smem:$0x3FAC] =	sst s7  }
0x10: {  	[smem:$0x3FAD] =	sst s8  }
0x11: {  	[smem:$0x3FAE] =	sst s9;
	s0 =	simm.s32 @!p0 $0x0  }
0x12: {  	s1 =	sld [smem:$0x3F94];
	s0 =	simm.s32 @p0 $0x1  }
0x13: {  	[smem:$0x3FAF] =	sst s0;
	s0 =	simm.s32 @!p1 $0x0  }
0x14: {  	s2 =	sld [smem:$0x3F93];
	s0 =	simm.s32 @p1 $0x1  }
0x15: {  	[smem:$0x3FB0] =	sst s0;
	s0 =	simm.s32 @!p2 $0x0  }
0x16: {  	s3 =	sld [smem:$0x3FDB];
	s0 =	simm.s32 @p2 $0x1  }
0x17: {  	s4 =	simm.s32 $0x1BF5;
	[smem:$0x3FB2] =	sst s0  }
0x18: {  	s0 =	sld [smem:$0x3F95];
	_ =	swait.ge [sflag:s4], $0x0  }
0x19: {  	s7 =	sld [smem:$0x3F96]  }
0x1a: {  	s8 =	sadd.s32 $0xFFFFE003, lr  }
0x1b: {  	s9 =	sadd.s32 $0xFFFFFEF7, lr;
	s5 =	simm.s32 $0xFFFFFFFF;
	p2 =	slt.u32 s8, $0xFFFFF086  }
0x1c: {  	p1 =	slt.u32 s9, $0xF7A;
	s5 =	simm.s32 @!p2 $0x0  }
0x1d: {  	s5 =	simm.s32 @p1 $0x1;
	p0 =	seq.s32 s7, s2  }
0x1e: {  	s7 =	smul.u32 @!p0 $0xF7A, s2;
	p2 =	seq.s32 @!p0 s5, $0x0  }
0x1f: {  	s9 =	smul.u32 $0xF7A, s1;
	s8 =	simm.s32 @!p0 $0x1BF5;
	p2 =	por !p2, p0  }
0x20: {  	[sflag:s8] =	ssyncset.s32 @!p0 $0xFFFFF086;
	s6 =	sadd.s32 @!p0 s3, s7;
	s7 =	simm.s32 @!p0 $0x108  }
0x21: {  	s3 =	sadd.s32 s3, s9;
	s6 =	sadd.s32 @!p0 $0x88, s6;
	s7 =	simm.s32 @p2 $0x1082  }
0x22: {  	[simem:s7], [sflag:s8] =	dma.local @!p0 [hbm:s6], $0xF7A  }
0x23: {  	s9 =	sor.u32 $0xD0000000, s2;
	s6 =	simm.s32 $0x108;
	_ =	swait.ge @!p0 [sflag:s8], $0x0  }
0x24: {  	s3 =	sadd.s32 $0x88, s3;
	s6 =	simm.s32 @!p1 $0x1082;
	[sflag:s4] =	ssyncset.s32 $0xFFFFF086  }
0x25: {  	[simem:s6], [sflag:s4] =	dma.local [hbm:s3], $0xF7A  }
0x26: {  	[smem:$0x3F96] =	sst s1;
	(tag) =	ssettag s2;
	_ =	strace s9  }
0x27: {  	s1 =	sld [smem:$0x3FA6]  }
0x28: {  	s2 =	sld [smem:$0x3FA7]  }
0x29: {  	s4 =	sld [smem:$0x3FA9]  }
0x2a: {  	p0 =	seq.s32 s5, $0x0;
	s5 =	sld [smem:$0x3FAA]  }
0x2b: {  	s6 =	sld [smem:$0x3FAB]  }
0x2c: {  	s7 =	sld [smem:$0x3FAC]  }
0x2d: {  	s3 =	simm.s32 $0x108;
	s8 =	sld [smem:$0x3FAD]  }
0x2e: {  	s3 =	simm.s32 @!p0 $0x1082;
	s9 =	sld [smem:$0x3FAE]  }
0x2f: {  	lr =	sadd.s32 s0, s3;
	s0 =	sld [smem:$0x3FA5]  }
0x30: {  	s3 =	sld [smem:$0x3FA8]  }
0x31: {  	[smem:$0x3FB1] =	sst s10  }
0x32: {  	s10 =	sld [smem:$0x3FAF];
	_ =	sdelay $0x3  }
0x33: {  	p0 =	seq.s32 s10, $0x1;
	s10 =	sld [smem:$0x3FB1];
	_ =	sdelay $0x3  }
0x34: {  	[smem:$0x3FB1] =	sst s10  }
0x35: {  	s10 =	sld [smem:$0x3FB0];
	_ =	sdelay $0x3  }
0x36: {  	p1 =	seq.s32 s10, $0x1;
	s10 =	sld [smem:$0x3FB1];
	_ =	sdelay $0x3  }
0x37: {  	[smem:$0x3FB1] =	sst s10  }
0x38: {  	s10 =	sld [smem:$0x3FB2]  }
0x39: {  	_ = 	snop;
	(pc) =	sbr.ind lr, $3  }
0x3a: {  	_ = 	snop  }
0x3b: {  	_ = 	snop  }
0x3c: {  	p2 =	seq.s32 s10, $0x1;
	s10 =	sld [smem:$0x3FB1]  }
0x3d: {  	_ =	shalt  }
0x3e: {  	_ =	shalt  }
0x3f: {  	_ =	shalt  }
0x40: {  	_ =	shalt  }
0x41: {  	_ =	shalt  }
0x42: {  	_ =	shalt  }
0x43: {  	_ =	shalt  }
0x44: {  	_ =	shalt  }
0x45: {  	_ =	shalt  }
0x46: {  	_ =	shalt  }
0x47: {  	_ =	shalt  }
0x48: {  	_ =	shalt  }
0x49: {  	_ =	shalt  }
0x4a: {  	_ =	shalt  }
0x4b: {  	_ =	shalt  }
0x4c: {  	_ =	shalt  }
0x4d: {  	_ =	shalt  }
0x4e: {  	_ =	shalt  }
0x4f: {  	_ =	shalt  }
0x50: {  	_ =	shalt  }
0x51: {  	_ =	shalt  }
0x52: {  	_ =	shalt  }
0x53: {  	_ =	shalt  }
0x54: {  	_ =	shalt  }
0x55: {  	_ =	shalt  }
0x56: {  	_ =	shalt  }
0x57: {  	_ =	shalt  }
0x58: {  	_ =	shalt  }
0x59: {  	_ =	shalt  }
0x5a: {  	_ =	shalt  }
0x5b: {  	_ =	shalt  }
0x5c: {  	_ =	shalt  }
0x5d: {  	_ =	shalt  }
0x5e: {  	_ =	shalt  }
0x5f: {  	_ =	shalt  }
0x60: {  	_ =	shalt  }
0x61: {  	_ =	shalt  }
0x62: {  	_ =	shalt  }
0x63: {  	_ =	shalt  }
0x64: {  	_ =	shalt  }
0x65: {  	_ =	shalt  }
0x66: {  	_ =	shalt  }
0x67: {  	_ =	shalt  }
0x68: {  	_ =	shalt  }
0x69: {  	_ =	shalt  }
0x6a: {  	_ =	shalt  }
0x6b: {  	_ =	shalt  }
0x6c: {  	_ =	shalt  }
0x6d: {  	_ =	shalt  }
0x6e: {  	_ =	shalt  }
0x6f: {  	_ =	shalt  }
0x70: {  	_ =	shalt  }
0x71: {  	_ =	shalt  }
0x72: {  	_ =	shalt  }
0x73: {  	_ =	shalt  }
0x74: {  	_ =	shalt  }
0x75: {  	_ =	shalt  }
0x76: {  	_ =	shalt  }
0x77: {  	_ =	shalt  }
0x78: {  	_ =	shalt  }
0x79: {  	_ =	shalt  }
0x7a: {  	_ =	shalt  }
0x7b: {  	_ =	shalt  }
0x7c: {  	_ =	shalt  }
0x7d: {  	_ =	shalt  }
0x7e: {  	_ =	shalt  }
0x7f: {  	_ =	shalt  }
0x80: {  	_ =	shalt  }
0x81: {  	_ =	shalt  }
0x82: {  	_ =	shalt  }
0x83: {  	_ =	shalt  }
0x84: {  	_ =	shalt  }
0x85: {  	_ =	shalt  }
0x86: {  	_ =	shalt  }
0x87: {  	_ =	shalt  }
.Lfunc_end0:
.L_simem_size_0:
called_computation_lowered:
.L_overlay_start_0:
0x88: {  	s2 =	sld [smem:$0x3FD9]  }
0x89: {  	s3 =	sld [smem:$0x3FFE];
	_ =	sdelay $0x1  }
0x8a: {  	s1 =	srdreg.scid  }
0x8b: {  	s0 =	sand.u32 $0x1, s1  }
0x8c: {  	s17 =	sshll.u32 s0, $0xA;
	s2 =	sadd.s32 s3, s2  }
0x8d: {  	s2 =	sadd.s32 s2, s17  }
0x8e: {  	[smem:$0x3FBD] =	sst s2  }
0x8f: {  	_ = 	snop  }
0x90: {  	s2 =	sld [smem:$0x3FC9]  }
0x91: {  	s18 =	sld [smem:$0x3FC8]  }
0x92: {  	s4 =	sld [smem:$0x3FC7]  }
0x93: {  	s5 =	sld [smem:$0x3FC6]  }
0x94: {  	s6 =	sld [smem:$0x3FC5]  }
0x95: {  	s7 =	sld [smem:$0x3FC4]  }
0x96: {  	s8 =	sld [smem:$0x3FC3]  }
0x97: {  	s9 =	sld [smem:$0x3FC2]  }
0x98: {  	s10 =	sld [smem:$0x3FC1]  }
0x99: {  	s11 =	sld [smem:$0x3FC0]  }
0x9a: {  	s12 =	sld [smem:$0x3FBF];
	(tm) =	ssettm $0x1  }
0x9b: {  	s13 =	sld [smem:$0x3FFB];
	_ =	sdelay $0x3  }
0x9c: {  	_ =	strace s13  }
0x9d: {  	s13 =	sld [smem:$0x3FFC];
	_ =	sdelay $0x3  }
0x9e: {  	_ =	strace s13  }
0x9f: {  	s13 =	sld [smem:$0x3FFD];
	_ =	sdelay $0x3  }
0xa0: {  	_ =	strace s13  }
0xa1: {  	_ =	strace $0x8FFFFFFF  }
0xa2: {  	s19 =	sld [smem:$0x3FDB];
	_ =	sdelay $0x1  }
0xa3: {  	s14 =	simm.s32 $_scs_section_size  }
0xa4: {  	s15 =	simm.s32 $_size__tile_overlayer_lowered;
	s16 =	simm.s32 $_tile_overlayer_lowered  }
0xa5: {  	s22 =	simm.s32 $0x1BFF;
	s21 =	sshll.u32 s16, $0x1;
	s13 =	sadd.s32 s14, s19  }
0xa6: {  	s20 =	sshll.u32 s15, $0x1;
	s17 =	simm.s32 $0x0;
	s15 =	sadd.s32 s21, s13  }
0xa7: {  	[timem:s17], [sflag:s22] =	dma.local [hbm:s15], s20  }
0xa8: {  	_ =	swait.ge [sflag:s22], s20  }
0xa9: {  	s14 =	ssub.s32 $0x0, s20;
	[sflag:s22] =	ssyncset.done $0x0  }
0xaa: {  	[sflag:s22] =	ssyncadd.s32 s14;
	_ =	sdelay $0x1  }
0xab: {  	s23 =	simm.s32 $0x1B8B  }
0xac: {  	_ =	swait.ge [sflag:s23], $0x1  }
0xad: {  	[sflag:s23] =	ssyncset.done $0x0  }
0xae: {  	s25 =	simm.s32 $0x1B8E;
	s24 =	sld [smem:$0x3FFE];
	[sflag:s23] =	ssyncadd.s32 $0xFFFFFFFF  }
0xaf: {  	s26 =	simm.s32 $execute0_lowered;
	[smem:$0x3FD2] =	sst s25  }
0xb0: {  	s15 =	sshll.u32 s26, $0x1;
	_ =	strace $0x80000046;
	[dreg:$0x1] =	wrdreg $0xFFFFFFFF  }
0xb1: {  	s28 =	simm.s32 $_size_execute0_lowered;
	s13 =	sadd.s32 s13, s15;
	[dreg:$0x0] =	wrdreg $0x0  }
0xb2: {  	s15 =	sshll.u32 s28, $0x1;
	[dreg:$0x2] =	wrdreg s13  }
0xb3: {  	[dreg:$0x3] =	wrdreg s15  }
0xb4: {  	[dreg:$0x4] =	wrdreg $0xC0  }
0xb5: {  	_ =	task [dreg:s17], $0x5FFFF  }
0xb6: {  	[dreg:$0x1] =	wrdreg $0xFFFFFFFF  }
0xb7: {  	[dreg:$0x0] =	wrdreg $0x60  }
0xb8: {  	[dreg:$0x2] =	wrdreg s2  }
0xb9: {  	[dreg:$0x3] =	wrdreg s18  }
0xba: {  	[dreg:$0x4] =	wrdreg s4  }
0xbb: {  	[dreg:$0x5] =	wrdreg s5  }
0xbc: {  	[dreg:$0x6] =	wrdreg s6  }
0xbd: {  	[dreg:$0x7] =	wrdreg s7  }
0xbe: {  	[dreg:$0x8] =	wrdreg s8  }
0xbf: {  	[dreg:$0x9] =	wrdreg s9  }
0xc0: {  	[dreg:$0xa] =	wrdreg s10  }
0xc1: {  	[dreg:$0xb] =	wrdreg s11  }
0xc2: {  	[dreg:$0xc] =	wrdreg s12  }
0xc3: {  	[dreg:$0xd] =	wrdreg s24  }
0xc4: {  	[dreg:$0xe] =	wrdreg $0x9  }
0xc5: {  	_ =	task.clear_ibuf [dreg:s17], $0xFFFFF;
	_ =	strace $0x90000046  }
0xc6: {  	s29 =	simm.s32 $0x9;
	_ =	strace $0x80000048  }
0xc7: {  	_ =	swait.ge [sflag:s29], $0x1  }
0xc8: {  	[sflag:s29] =	ssyncadd.s32 $0xFFFFFFFF  }
0xc9: {  	_ =	strace $0x90000048  }
0xca: {  	_ =	sfence  }
0xcb: {  	s30 =	sld [smem:$0x0];
	_ =	sdelay $0x2  }
0xcc: {  	s31 =	sshll.u32 s1, $0xD;
	s1 =	sshrl.u32 s1, $0x2  }
0xcd: {  	s3 =	sand.u32 $0x4000, s31;
	s1 =	sadd.s32 s1, s30  }
0xce: {  	s0 =	sor.u32 s3, s0;
	s1 =	sshll.u32 s1, $0x11  }
0xcf: {  	s0 =	sor.u32 s1, s0  }
0xd0: {  	s0 =	sadd.s32 $0x8F2B, s0  }
0xd1: {  	[sflag:s0] =	ssyncadd.remote.s32 $0x1  }
0xd2: {  	_ =	sfence.sel $0xFFFF  }
0xd3: {  	[dreg:$0x0] =	wrdreg $0xFFFFFFFF;
	(pc) =	sbr.abs _section_cstart, $3  }
0xd4: {  	[dreg:$0x1] =	wrdreg $0xFFFFFFFF  }
0xd5: {  	_ =	task.clear_ibuf [dreg:s17], $0x2FFFF;
	_ =	strace $0x9FFFFFFF  }
0xd6: {  	(tm) =	ssettm $0x7FFFFFFF  }
0xd7: {  	_ =	shalt  }
tec
execute0_lowered:
.L_overlay_start_1:
0x0: {  	(tag) =	ssettag $0x1  }
0x1: {  	s6 =	rddreg [dreg:$0x6]  }
0x2: {  	s8 =	rddreg [dreg:$0x7]  }
0x3: {  	s9 =	rddreg [dreg:$0x8]  }
0x4: {  	s10 =	rddreg [dreg:$0x9]  }
0x5: {  	s11 =	rddreg [dreg:$0xa]  }
0x6: {  	s0 =	rddreg [dreg:$0xb]  }
0x7: {  	s1 =	srdreg.scid;
	s12 =	simm.s32 $0x0;
	s4 =	stileid.u32  }
0x8: {  	s17 =	simm.s32 $0x1;
	s18 =	simm.s32 $0x1E00;
	s19 =	simm.s32 $0x6600  }
0x9: {  	s20 =	simm.s32 $0x7A00;
	s21 =	simm.s32 $0x8E00;
	s22 =	simm.s32 $0xA200  }
0xa: {  	s23 =	simm.s32 $0xB600;
	s24 =	simm.s32 $0xCA00;
	s28 =	simm.s32 $0x10600  }
0xb: {  	v0 =	vlaneseq.u32;
	s29 =	simm.s32 $0x11A00;
	s30 =	simm.s32 $0x80;
	s1 =	sand.u32 $0x1, s1  }
0xc: {  	s31 =	simm.s32 $0x400;
	[smem:$0x7FF] =	sst s12;
	v1 =	vadd.s32 $0x271, v0;
	v2 =	vadd.s32 $0x4E2, v0;
	v3 =	vadd.s32 $0x753, v0;
	s2 =	ssub.s32 $0x2, s1  }
0xd: {  	s25 =	sshll.u32 s4, $0x6;
	s14 =	sadd.s32 $0x400, s0;
	v4 =	vadd.s32 $0x9C4, v0;
	v5 =	vadd.s32 $0xC35, v0;
	v6 =	vadd.s32 $0xEA6, v0;
	s3 =	sshrl.u32 s2, $0x1  }
0xe: {  	v7 =	vadd.s32 $0x1117, v0;
	v8 =	vadd.s32 $0x1388, v0;
	v9 =	vadd.s32 $0x15F9, v0;
	_ =	strace $0x80000047;
	s1 =	sshll.u32 s1, $0x5;
	s2 =	ssub.s32 s2, s3  }
0xf: {  	v10 =	vadd.s32 $0x186A, v0;
	v11 =	vadd.s32 $0x1ADB, v0;
	v12 =	vadd.s32 $0x1D4C, v0;
	s15 =	sor.u32 s1, s25;
	s25 =	simm.s32 $0xDE00;
	s26 =	smax.u32 s2, $0x1  }
0x10: {  	v13 =	vadd.s32 $0x1FBD, v0;
	v14 =	vadd.s32 $0x222E, v0;
	v15 =	vadd.s32 $0x249F, v0;
	s1 =	simm.s32 $0x0;
	[dreg:$0xd] =	wrdreg s26;
	s26 =	simm.s32 $0xF200  }
.LBB2_1:
0x11: {  	[dreg:$0xe] =	wrdreg s1  }
0x12: {  	s0 =	rddreg [dreg:$0x0]  }
0x13: {  	[tilespmem:s12], [sflag:$0x1] =	stream.linear.gather [hbm4b:s0+s12], $0x1E00, $0x38;
	[tilespmem:$0x14180] =	vst v63  }
0x14: {  	_ =	swait.ge [sflag:s17], $0x1E00  }
0x15: {  	[sflag:s17] =	ssyncset.done $0x0  }
0x16: {  	[sflag:s17] =	ssyncadd.s32 $0xFFFFE200  }
0x17: {  	s16 =	rddreg [dreg:$0x1]  }
0x18: {  	[tilespmem:s18], [sflag:$0x1] =	stream.linear.gather [hbm4b:s16+s12], $0x4800, $0x38;
	[tilespmem:$0x14180] =	vst v63  }
0x19: {  	_ =	swait.ge [sflag:s17], $0x4800  }
0x1a: {  	[sflag:s17] =	ssyncset.done $0x0  }
0x1b: {  	s13 =	simm.s32 $0x0;
	[sflag:s17] =	ssyncadd.s32 $0xFFFFB800  }
.LBB2_2:
0x1c: {  	s0 =	sshll.u32 s13, $0x3  }
0x1d: {  	s1 =	sadd.s32 s15, s0  }
0x1e: {  	s0 =	smul.u32 $0x271, s1;
	_ =	sdelay $0x1  }
0x1f: {  	s4 =	rddreg [dreg:$0x2];
	s2 =	sshrl.u32 s0, $0x3  }
0x20: {  	s0 =	simm.s32 $0x0;
	s3 =	sadd.s32 s4, s2  }
0x21: {  	[tilespmem:s19], [sflag:$0x1] =	stream.linear.gather [hbm4b:s3+s0], $0x1388, $0x38;
	[tilespmem:$0x14180] =	vst v63  }
0x22: {  	_ =	swait.ge [sflag:s17], $0x1388  }
0x23: {  	[sflag:s17] =	ssyncset.done $0x0  }
0x24: {  	[sflag:s17] =	ssyncadd.s32 $0xFFFFEC78  }
0x25: {  	s5 =	rddreg [dreg:$0x3]  }
0x26: {  	s3 =	sadd.s32 s5, s2  }
0x27: {  	[tilespmem:s20], [sflag:$0x1] =	stream.linear.gather [hbm4b:s3+s0], $0x1388, $0x38;
	[tilespmem:$0x14180] =	vst v63  }
0x28: {  	_ =	swait.ge [sflag:s17], $0x1388  }
0x29: {  	[sflag:s17] =	ssyncset.done $0x0  }
0x2a: {  	[sflag:s17] =	ssyncadd.s32 $0xFFFFEC78  }
0x2b: {  	s7 =	rddreg [dreg:$0x4]  }
0x2c: {  	s3 =	sadd.s32 s7, s2  }
0x2d: {  	[tilespmem:s21], [sflag:$0x1] =	stream.linear.gather [hbm4b:s3+s0], $0x1388, $0x38;
	[tilespmem:$0x14180] =	vst v63  }
0x2e: {  	_ =	swait.ge [sflag:s17], $0x1388  }
0x2f: {  	[sflag:s17] =	ssyncset.done $0x0  }
0x30: {  	[sflag:s17] =	ssyncadd.s32 $0xFFFFEC78  }
0x31: {  	s16 =	rddreg [dreg:$0x5]  }
0x32: {  	s3 =	sadd.s32 s16, s2  }
0x33: {  	[tilespmem:s22], [sflag:$0x1] =	stream.linear.gather [hbm4b:s3+s0], $0x1388, $0x38;
	[tilespmem:$0x14180] =	vst v63  }
0x34: {  	_ =	swait.ge [sflag:s17], $0x1388  }
0x35: {  	[sflag:s17] =	ssyncset.done $0x0  }
0x36: {  	s4 =	sadd.s32 s6, s2;
	[sflag:s17] =	ssyncadd.s32 $0xFFFFEC78  }
0x37: {  	[tilespmem:s23], [sflag:$0x1] =	stream.linear.gather [hbm4b:s4+s0], $0x1388, $0x38;
	[tilespmem:$0x14180] =	vst v63  }
0x38: {  	_ =	swait.ge [sflag:s17], $0x1388  }
0x39: {  	[sflag:s17] =	ssyncset.done $0x0  }
0x3a: {  	s5 =	sadd.s32 s8, s2;
	[sflag:s17] =	ssyncadd.s32 $0xFFFFEC78  }
0x3b: {  	[tilespmem:s24], [sflag:$0x1] =	stream.linear.gather [hbm4b:s5+s0], $0x1388, $0x38;
	[tilespmem:$0x14180] =	vst v63  }
0x3c: {  	_ =	swait.ge [sflag:s17], $0x1388  }
0x3d: {  	[sflag:s17] =	ssyncset.done $0x0  }
0x3e: {  	s7 =	sadd.s32 s9, s2;
	[sflag:s17] =	ssyncadd.s32 $0xFFFFEC78  }
0x3f: {  	[tilespmem:s25], [sflag:$0x1] =	stream.linear.gather [hbm4b:s7+s0], $0x1388, $0x38;
	[tilespmem:$0x14180] =	vst v63  }
0x40: {  	_ =	swait.ge [sflag:s17], $0x1388  }
0x41: {  	[sflag:s17] =	ssyncset.done $0x0  }
0x42: {  	s16 =	sadd.s32 s10, s2;
	[sflag:s17] =	ssyncadd.s32 $0xFFFFEC78  }
0x43: {  	[tilespmem:s26], [sflag:$0x1] =	stream.linear.gather [hbm4b:s16+s0], $0x1388, $0x38;
	[tilespmem:$0x14180] =	vst v63  }
0x44: {  	_ =	swait.ge [sflag:s17], $0x1388  }
0x45: {  	[sflag:s17] =	ssyncset.done $0x0  }
0x46: {  	s2 =	sadd.s32 s11, s2;
	[sflag:s17] =	ssyncadd.s32 $0xFFFFEC78  }
0x47: {  	[tilespmem:s28], [sflag:$0x1] =	stream.linear.gather [hbm4b:s2+s0], $0x1388, $0x38;
	[tilespmem:$0x14180] =	vst v63  }
0x48: {  	_ =	swait.ge [sflag:s17], $0x1388  }
0x49: {  	s1 =	sshrl.u32 s1, $0x3;
	[sflag:s17] =	ssyncset.done $0x0  }
0x4a: {  	s1 =	smul.u32 $0x13C00, s1;
	s16 =	simm.s32 $0x0;
	[sflag:s17] =	ssyncadd.s32 $0xFFFFEC78  }
.LBB2_3:
0x4b: {  	s2 =	smul.u32 $0x271, s16  }
0x4c: {  	s7 =	smin.u32 s0, $0x261  }
0x4d: {  	s3 =	sadd.s32 s2, s7  }
0x4e: {  	v16 =	vadd.s32 s3, v0;
	_ =	sdelay $0x4  }
0x4f: {  	v17 =	vld.idx.msk [tilespmem:v16+s23+$0x0], $0xffff  }
0x50: {  	v18 =	vld.idx.msk [tilespmem:v16+s24+$0x0], $0xffff;
	_ =	sdelay $0x1  }
0x51: {  	v19 =	vld.idx.msk [tilespmem:v16+s25+$0x0], $0xffff  }
0x52: {  	v20 =	vld.idx.msk [tilespmem:v16+s19+$0x0], $0xffff  }
0x53: {  	v21 =	vld.idx.msk [tilespmem:v16+s26+$0x0], $0xffff;
	v17 =	vshll.u32 v17, $0x2  }
0x54: {  	v22 =	vld.idx.msk [tilespmem:v16+s20+$0x0], $0xffff;
	v17 =	vadd.s32 v18, v17  }
0x55: {  	v18 =	vld.idx.msk [tilespmem:v16+s21+$0x0], $0xffff;
	v17 =	vmul.u32 $0x3, v17  }
0x56: {  	v23 =	vld.idx.msk [tilespmem:v16+s28+$0x0], $0xffff  }
0x57: {  	v20 =	vmul.u32 $0x5, v20;
	v16 =	vld.idx.msk [tilespmem:v16+s22+$0x0], $0xffff;
	v17 =	vadd.s32 v19, v17  }
0x58: {  	v17 =	vmul.u32 $0x3, v17  }
0x59: {  	v19 =	vadd.s32 v22, v20  }
0x5a: {  	v19 =	vshll.u32 v19, $0x4;
	v18 =	vshll.u32 v18, $0x2;
	v17 =	vadd.s32 v21, v17  }
0x5b: {  	v18 =	vadd.s32 v18, v19;
	v19 =	vshll.u32 v23, $0x4;
	v17 =	vshll.u32 v17, $0x7  }
0x5c: {  	v16 =	vadd.s32 v16, v18;
	v17 =	vadd.s32 v19, v17  }
0x5d: {  	v18 =	vand.u32 $0x70, v19;
	v16 =	vshll.u32 v16, $0x4;
	v17 =	vand.u32 $0xFFFFFF80, v17  }
0x5e: {  	v17 =	vor.u32 v18, v17;
	_ =	sdelay $0x3  }
0x5f: {  	v18 =	vld.idx.msk [tilespmem:v16+s12+$0x0], $0xffff  }
0x60: {  	v19 =	vld.idx.msk [tilespmem:v17+s18+$0x0], $0xffff;
	_ =	sdelay $0x1  }
0x61: {  	v20 =	vadd.s32 s7, v0  }
0x62: {  	v42 =	vor.u32 $0x1, v16  }
0x63: {  	v43 =	vor.u32 $0x1, v17  }
0x64: {  	v18 =	vadd.f32 v19, v18;
	_ =	sdelay $0x1  }
0x65: {  	[tilespmem:v20+s29+$0x0] =	vst.idx.msk $0xffff, v18  }
0x66: {  	v18 =	vld.idx.msk [tilespmem:v42+s12+$0x0], $0xffff  }
0x67: {  	v19 =	vld.idx.msk [tilespmem:v43+s18+$0x0], $0xffff;
	_ =	sdelay $0x1  }
0x68: {  	v20 =	vadd.s32 s7, v1  }
0x69: {  	v44 =	vor.u32 $0x2, v16  }
0x6a: {  	v45 =	vor.u32 $0x2, v17  }
0x6b: {  	v18 =	vadd.f32 v19, v18;
	_ =	sdelay $0x1  }
0x6c: {  	[tilespmem:v20+s29+$0x0] =	vst.idx.msk $0xffff, v18  }
0x6d: {  	v18 =	vld.idx.msk [tilespmem:v44+s12+$0x0], $0xffff  }
0x6e: {  	v19 =	vld.idx.msk [tilespmem:v45+s18+$0x0], $0xffff;
	_ =	sdelay $0x1  }
0x6f: {  	v20 =	vadd.s32 s7, v2  }
0x70: {  	v46 =	vor.u32 $0x3, v16  }
0x71: {  	v47 =	vor.u32 $0x3, v17  }
0x72: {  	v18 =	vadd.f32 v19, v18;
	_ =	sdelay $0x1  }
0x73: {  	[tilespmem:v20+s29+$0x0] =	vst.idx.msk $0xffff, v18  }
0x74: {  	v18 =	vld.idx.msk [tilespmem:v46+s12+$0x0], $0xffff  }
0x75: {  	v19 =	vld.idx.msk [tilespmem:v47+s18+$0x0], $0xffff;
	_ =	sdelay $0x1  }
0x76: {  	v20 =	vadd.s32 s7, v3  }
0x77: {  	v48 =	vor.u32 $0x4, v16  }
0x78: {  	v49 =	vor.u32 $0x4, v17  }
0x79: {  	v18 =	vadd.f32 v19, v18;
	_ =	sdelay $0x1  }
0x7a: {  	[tilespmem:v20+s29+$0x0] =	vst.idx.msk $0xffff, v18  }
0x7b: {  	v18 =	vld.idx.msk [tilespmem:v48+s12+$0x0], $0xffff  }
0x7c: {  	v19 =	vld.idx.msk [tilespmem:v49+s18+$0x0], $0xffff;
	_ =	sdelay $0x1  }
0x7d: {  	v20 =	vadd.s32 s7, v4  }
0x7e: {  	v50 =	vor.u32 $0x5, v16  }
0x7f: {  	v51 =	vor.u32 $0x5, v17  }
0x80: {  	v18 =	vadd.f32 v19, v18;
	_ =	sdelay $0x1  }
0x81: {  	[tilespmem:v20+s29+$0x0] =	vst.idx.msk $0xffff, v18  }
0x82: {  	v18 =	vld.idx.msk [tilespmem:v50+s12+$0x0], $0xffff  }
0x83: {  	v19 =	vld.idx.msk [tilespmem:v51+s18+$0x0], $0xffff;
	_ =	sdelay $0x1  }
0x84: {  	v20 =	vadd.s32 s7, v5  }
0x85: {  	v52 =	vor.u32 $0x6, v16  }
0x86: {  	v53 =	vor.u32 $0x6, v17  }
0x87: {  	v18 =	vadd.f32 v19, v18;
	_ =	sdelay $0x1  }
0x88: {  	[tilespmem:v20+s29+$0x0] =	vst.idx.msk $0xffff, v18  }
0x89: {  	v18 =	vld.idx.msk [tilespmem:v52+s12+$0x0], $0xffff  }
0x8a: {  	v19 =	vld.idx.msk [tilespmem:v53+s18+$0x0], $0xffff;
	_ =	sdelay $0x1  }
0x8b: {  	v20 =	vadd.s32 s7, v6  }
0x8c: {  	v54 =	vor.u32 $0x7, v16  }
0x8d: {  	v55 =	vor.u32 $0x7, v17  }
0x8e: {  	v18 =	vadd.f32 v19, v18;
	_ =	sdelay $0x1  }
0x8f: {  	[tilespmem:v20+s29+$0x0] =	vst.idx.msk $0xffff, v18  }
0x90: {  	v18 =	vld.idx.msk [tilespmem:v54+s12+$0x0], $0xffff  }
0x91: {  	v19 =	vld.idx.msk [tilespmem:v55+s18+$0x0], $0xffff;
	_ =	sdelay $0x1  }
0x92: {  	v20 =	vadd.s32 s7, v7  }
0x93: {  	v56 =	vor.u32 $0x8, v16  }
0x94: {  	v57 =	vor.u32 $0x8, v17  }
0x95: {  	v18 =	vadd.f32 v19, v18;
	_ =	sdelay $0x1  }
0x96: {  	[tilespmem:v20+s29+$0x0] =	vst.idx.msk $0xffff, v18  }
0x97: {  	v18 =	vld.idx.msk [tilespmem:v56+s12+$0x0], $0xffff  }
0x98: {  	v19 =	vld.idx.msk [tilespmem:v57+s18+$0x0], $0xffff;
	_ =	sdelay $0x1  }
0x99: {  	v20 =	vadd.s32 s7, v8  }
0x9a: {  	v58 =	vor.u32 $0x9, v16  }
0x9b: {  	v59 =	vor.u32 $0x9, v17  }
0x9c: {  	v18 =	vadd.f32 v19, v18;
	_ =	sdelay $0x1  }
0x9d: {  	[tilespmem:v20+s29+$0x0] =	vst.idx.msk $0xffff, v18  }
0x9e: {  	v18 =	vld.idx.msk [tilespmem:v58+s12+$0x0], $0xffff  }
0x9f: {  	v19 =	vld.idx.msk [tilespmem:v59+s18+$0x0], $0xffff;
	_ =	sdelay $0x1  }
0xa0: {  	v20 =	vadd.s32 s7, v9  }
0xa1: {  	v60 =	vor.u32 $0xA, v16  }
0xa2: {  	v61 =	vor.u32 $0xA, v17  }
0xa3: {  	v18 =	vadd.f32 v19, v18;
	_ =	sdelay $0x1  }
0xa4: {  	[tilespmem:v20+s29+$0x0] =	vst.idx.msk $0xffff, v18  }
0xa5: {  	v18 =	vld.idx.msk [tilespmem:v60+s12+$0x0], $0xffff  }
0xa6: {  	v19 =	vld.idx.msk [tilespmem:v61+s18+$0x0], $0xffff;
	_ =	sdelay $0x1  }
0xa7: {  	v20 =	vadd.s32 s7, v10  }
0xa8: {  	v62 =	vor.u32 $0xB, v16  }
0xa9: {  	v63 =	vor.u32 $0xB, v17  }
0xaa: {  	v18 =	vadd.f32 v19, v18;
	_ =	sdelay $0x1  }
0xab: {  	[tilespmem:v20+s29+$0x0] =	vst.idx.msk $0xffff, v18  }
0xac: {  	v18 =	vld.idx.msk [tilespmem:v62+s12+$0x0], $0xffff  }
0xad: {  	s3 =	simm.s32 $0x10;
	v19 =	vld.idx.msk [tilespmem:v63+s18+$0x0], $0xffff  }
.LBB2_4:
0xae: {  	p0 =	sne.s32 s3, $0x270;
	s4 =	smov.u32 s3;
	s3 =	sadd.s32 $0x10, s3  }
0xaf: {  	v20 =	vadd.s32 s7, v11  }
0xb0: {  	v21 =	vor.u32 $0xC, v16  }
0xb1: {  	v22 =	vor.u32 $0xC, v17  }
0xb2: {  	v18 =	vadd.f32 v19, v18;
	_ =	sdelay $0x1  }
0xb3: {  	[tilespmem:v20+s29+$0x0] =	vst.idx.msk $0xffff, v18  }
0xb4: {  	v18 =	vld.idx.msk [tilespmem:v21+s12+$0x0], $0xffff  }
0xb5: {  	v19 =	vld.idx.msk [tilespmem:v22+s18+$0x0], $0xffff  }
0xb6: {  	s4 =	smin.u32 s4, $0x261  }
0xb7: {  	s5 =	sadd.s32 s2, s4  }
0xb8: {  	v20 =	vadd.s32 s5, v0;
	v21 =	vadd.s32 s7, v12  }
0xb9: {  	v22 =	vor.u32 $0xD, v16  }
0xba: {  	v23 =	vor.u32 $0xD, v17  }
0xbb: {  	v18 =	vadd.f32 v19, v18;
	_ =	sdelay $0x1  }
0xbc: {  	[tilespmem:v21+s29+$0x0] =	vst.idx.msk $0xffff, v18  }
0xbd: {  	v18 =	vld.idx.msk [tilespmem:v22+s12+$0x0], $0xffff  }
0xbe: {  	v19 =	vld.idx.msk [tilespmem:v23+s18+$0x0], $0xffff;
	_ =	sdelay $0x2  }
0xbf: {  	v21 =	vadd.s32 s7, v13  }
0xc0: {  	v22 =	vor.u32 $0xE, v16  }
0xc1: {  	v23 =	vor.u32 $0xE, v17  }
0xc2: {  	v18 =	vadd.f32 v19, v18;
	_ =	sdelay $0x1  }
0xc3: {  	[tilespmem:v21+s29+$0x0] =	vst.idx.msk $0xffff, v18  }
0xc4: {  	v18 =	vld.idx.msk [tilespmem:v22+s12+$0x0], $0xffff  }
0xc5: {  	v19 =	vld.idx.msk [tilespmem:v23+s18+$0x0], $0xffff;
	_ =	sdelay $0x2  }
0xc6: {  	v21 =	vadd.s32 s7, v14  }
0xc7: {  	v16 =	vor.u32 $0xF, v16;
	v17 =	vor.u32 $0xF, v17;
	_ =	sdelay $0x1  }
0xc8: {  	v18 =	vadd.f32 v19, v18;
	_ =	sdelay $0x1  }
0xc9: {  	[tilespmem:v21+s29+$0x0] =	vst.idx.msk $0xffff, v18  }
0xca: {  	v16 =	vld.idx.msk [tilespmem:v16+s12+$0x0], $0xffff  }
0xcb: {  	v17 =	vld.idx.msk [tilespmem:v17+s18+$0x0], $0xffff;
	_ =	sdelay $0x1  }
0xcc: {  	v18 =	vadd.s32 s7, v15;
	s7 =	smov.u32 s4;
	_ =	sdelay $0x3  }
0xcd: {  	v16 =	vadd.f32 v17, v16;
	_ =	sdelay $0x1  }
0xce: {  	[tilespmem:v18+s29+$0x0] =	vst.idx.msk $0xffff, v16  }
0xcf: {  	v16 =	vld.idx.msk [tilespmem:v20+s23+$0x0], $0xffff  }
0xd0: {  	v17 =	vld.idx.msk [tilespmem:v20+s24+$0x0], $0xffff  }
0xd1: {  	v18 =	vld.idx.msk [tilespmem:v20+s25+$0x0], $0xffff;
	_ =	sdelay $0x1  }
0xd2: {  	v19 =	vld.idx.msk [tilespmem:v20+s19+$0x0], $0xffff  }
0xd3: {  	v21 =	vld.idx.msk [tilespmem:v20+s26+$0x0], $0xffff  }
0xd4: {  	v16 =	vshll.u32 v16, $0x2;
	v22 =	vld.idx.msk [tilespmem:v20+s20+$0x0], $0xffff  }
0xd5: {  	v16 =	vadd.s32 v17, v16;
	v23 =	vld.idx.msk [tilespmem:v20+s21+$0x0], $0xffff  }
0xd6: {  	v16 =	vmul.u32 $0x3, v16;
	v17 =	vld.idx.msk [tilespmem:v20+s28+$0x0], $0xffff  }
0xd7: {  	v20 =	vld.idx.msk [tilespmem:v20+s22+$0x0], $0xffff  }
0xd8: {  	v19 =	vmul.u32 $0x5, v19;
	v16 =	vadd.s32 v18, v16  }
0xd9: {  	v16 =	vmul.u32 $0x3, v16  }
0xda: {  	v18 =	vadd.s32 v22, v19  }
0xdb: {  	v18 =	vshll.u32 v18, $0x4;
	v19 =	vshll.u32 v23, $0x2;
	v16 =	vadd.s32 v21, v16  }
0xdc: {  	v18 =	vadd.s32 v19, v18;
	v16 =	vshll.u32 v16, $0x7;
	v17 =	vshll.u32 v17, $0x4  }
0xdd: {  	v18 =	vadd.s32 v20, v18;
	v19 =	vadd.s32 v17, v16  }
0xde: {  	v17 =	vand.u32 $0x70, v17;
	v16 =	vshll.u32 v18, $0x4;
	v18 =	vand.u32 $0xFFFFFF80, v19  }
0xdf: {  	v17 =	vor.u32 v17, v18;
	_ =	sdelay $0x3  }
0xe0: {  	v18 =	vld.idx.msk [tilespmem:v16+s12+$0x0], $0xffff  }
0xe1: {  	v19 =	vld.idx.msk [tilespmem:v17+s18+$0x0], $0xffff;
	_ =	sdelay $0x2  }
0xe2: {  	v20 =	vadd.s32 s7, v0  }
0xe3: {  	v21 =	vor.u32 $0x1, v16  }
0xe4: {  	v22 =	vor.u32 $0x1, v17  }
0xe5: {  	v18 =	vadd.f32 v19, v18;
	_ =	sdelay $0x1  }
0xe6: {  	[tilespmem:v20+s29+$0x0] =	vst.idx.msk $0xffff, v18  }
0xe7: {  	v18 =	vld.idx.msk [tilespmem:v21+s12+$0x0], $0xffff  }
0xe8: {  	v19 =	vld.idx.msk [tilespmem:v22+s18+$0x0], $0xffff;
	_ =	sdelay $0x2  }
0xe9: {  	v20 =	vadd.s32 s7, v1  }
0xea: {  	v21 =	vor.u32 $0x2, v16  }
0xeb: {  	v22 =	vor.u32 $0x2, v17  }
0xec: {  	v18 =	vadd.f32 v19, v18;
	_ =	sdelay $0x1  }
0xed: {  	[tilespmem:v20+s29+$0x0] =	vst.idx.msk $0xffff, v18  }
0xee: {  	v18 =	vld.idx.msk [tilespmem:v21+s12+$0x0], $0xffff  }
0xef: {  	v19 =	vld.idx.msk [tilespmem:v22+s18+$0x0], $0xffff;
	_ =	sdelay $0x2  }
0xf0: {  	v20 =	vadd.s32 s7, v2  }
0xf1: {  	v21 =	vor.u32 $0x3, v16  }
0xf2: {  	v22 =	vor.u32 $0x3, v17  }
0xf3: {  	v18 =	vadd.f32 v19, v18;
	_ =	sdelay $0x1  }
0xf4: {  	[tilespmem:v20+s29+$0x0] =	vst.idx.msk $0xffff, v18  }
0xf5: {  	v18 =	vld.idx.msk [tilespmem:v21+s12+$0x0], $0xffff  }
0xf6: {  	v19 =	vld.idx.msk [tilespmem:v22+s18+$0x0], $0xffff;
	_ =	sdelay $0x2  }
0xf7: {  	v20 =	vadd.s32 s7, v3  }
0xf8: {  	v21 =	vor.u32 $0x4, v16  }
0xf9: {  	v22 =	vor.u32 $0x4, v17  }
0xfa: {  	v18 =	vadd.f32 v19, v18;
	_ =	sdelay $0x1  }
0xfb: {  	[tilespmem:v20+s29+$0x0] =	vst.idx.msk $0xffff, v18  }
0xfc: {  	v18 =	vld.idx.msk [tilespmem:v21+s12+$0x0], $0xffff  }
0xfd: {  	v19 =	vld.idx.msk [tilespmem:v22+s18+$0x0], $0xffff;
	_ =	sdelay $0x2  }
0xfe: {  	v20 =	vadd.s32 s7, v4  }
0xff: {  	v21 =	vor.u32 $0x5, v16  }
0x100: {  	v22 =	vor.u32 $0x5, v17  }
0x101: {  	v18 =	vadd.f32 v19, v18;
	_ =	sdelay $0x1  }
0x102: {  	[tilespmem:v20+s29+$0x0] =	vst.idx.msk $0xffff, v18  }
0x103: {  	v18 =	vld.idx.msk [tilespmem:v21+s12+$0x0], $0xffff  }
0x104: {  	v19 =	vld.idx.msk [tilespmem:v22+s18+$0x0], $0xffff;
	_ =	sdelay $0x2  }
0x105: {  	v20 =	vadd.s32 s7, v5  }
0x106: {  	v21 =	vor.u32 $0x6, v16  }
0x107: {  	v22 =	vor.u32 $0x6, v17  }
0x108: {  	v18 =	vadd.f32 v19, v18;
	_ =	sdelay $0x1  }
0x109: {  	[tilespmem:v20+s29+$0x0] =	vst.idx.msk $0xffff, v18  }
0x10a: {  	v18 =	vld.idx.msk [tilespmem:v21+s12+$0x0], $0xffff  }
0x10b: {  	v19 =	vld.idx.msk [tilespmem:v22+s18+$0x0], $0xffff;
	_ =	sdelay $0x2  }
0x10c: {  	v20 =	vadd.s32 s7, v6  }
0x10d: {  	v21 =	vor.u32 $0x7, v16  }
0x10e: {  	v22 =	vor.u32 $0x7, v17  }
0x10f: {  	v18 =	vadd.f32 v19, v18;
	_ =	sdelay $0x1  }
0x110: {  	[tilespmem:v20+s29+$0x0] =	vst.idx.msk $0xffff, v18  }
0x111: {  	v18 =	vld.idx.msk [tilespmem:v21+s12+$0x0], $0xffff  }
0x112: {  	v19 =	vld.idx.msk [tilespmem:v22+s18+$0x0], $0xffff;
	_ =	sdelay $0x2  }
0x113: {  	v20 =	vadd.s32 s7, v7  }
0x114: {  	v21 =	vor.u32 $0x8, v16  }
0x115: {  	v22 =	vor.u32 $0x8, v17  }
0x116: {  	v18 =	vadd.f32 v19, v18;
	_ =	sdelay $0x1  }
0x117: {  	[tilespmem:v20+s29+$0x0] =	vst.idx.msk $0xffff, v18  }
0x118: {  	v18 =	vld.idx.msk [tilespmem:v21+s12+$0x0], $0xffff  }
0x119: {  	v19 =	vld.idx.msk [tilespmem:v22+s18+$0x0], $0xffff;
	_ =	sdelay $0x2  }
0x11a: {  	v20 =	vadd.s32 s7, v8  }
0x11b: {  	v21 =	vor.u32 $0x9, v16  }
0x11c: {  	v22 =	vor.u32 $0x9, v17  }
0x11d: {  	v18 =	vadd.f32 v19, v18;
	_ =	sdelay $0x1  }
0x11e: {  	[tilespmem:v20+s29+$0x0] =	vst.idx.msk $0xffff, v18  }
0x11f: {  	v18 =	vld.idx.msk [tilespmem:v21+s12+$0x0], $0xffff  }
0x120: {  	v19 =	vld.idx.msk [tilespmem:v22+s18+$0x0], $0xffff;
	_ =	sdelay $0x2  }
0x121: {  	v20 =	vadd.s32 s7, v9  }
0x122: {  	v21 =	vor.u32 $0xA, v16  }
0x123: {  	v22 =	vor.u32 $0xA, v17  }
0x124: {  	v18 =	vadd.f32 v19, v18;
	_ =	sdelay $0x1  }
0x125: {  	[tilespmem:v20+s29+$0x0] =	vst.idx.msk $0xffff, v18  }
0x126: {  	v18 =	vld.idx.msk [tilespmem:v21+s12+$0x0], $0xffff  }
0x127: {  	v19 =	vld.idx.msk [tilespmem:v22+s18+$0x0], $0xffff;
	_ =	sdelay $0x2  }
0x128: {  	v20 =	vadd.s32 s7, v10  }
0x129: {  	v21 =	vor.u32 $0xB, v16  }
0x12a: {  	v22 =	vor.u32 $0xB, v17  }
.Ltmp0:
0x12b: {  	v18 =	vadd.f32 v19, v18;
	(pc) =	sbr.rel @p0 .LBB2_4-.Ltmp0, $4  }
0x12c: {  	_ = 	snop  }
0x12d: {  	[tilespmem:v20+s29+$0x0] =	vst.idx.msk $0xffff, v18  }
0x12e: {  	v18 =	vld.idx.msk [tilespmem:v21+s12+$0x0], $0xffff  }
0x12f: {  	v19 =	vld.idx.msk [tilespmem:v22+s18+$0x0], $0xffff  }
0x130: {  	_ = 	snop  }
0x131: {  	v20 =	vadd.s32 s7, v11  }
0x132: {  	v21 =	vor.u32 $0xC, v16  }
0x133: {  	v22 =	vor.u32 $0xC, v17  }
0x134: {  	v18 =	vadd.f32 v19, v18;
	_ =	sdelay $0x1  }
0x135: {  	[tilespmem:v20+s29+$0x0] =	vst.idx.msk $0xffff, v18  }
0x136: {  	v18 =	vld.idx.msk [tilespmem:v21+s12+$0x0], $0xffff  }
0x137: {  	v53 =	vld.idx.msk [tilespmem:v22+s18+$0x0], $0xffff;
	_ =	sdelay $0x1  }
0x138: {  	v54 =	vadd.s32 s7, v12  }
0x139: {  	v55 =	vor.u32 $0xD, v16  }
0x13a: {  	v56 =	vor.u32 $0xD, v17  }
0x13b: {  	v18 =	vadd.f32 v53, v18;
	_ =	sdelay $0x1  }
0x13c: {  	[tilespmem:v54+s29+$0x0] =	vst.idx.msk $0xffff, v18  }
0x13d: {  	v18 =	vld.idx.msk [tilespmem:v55+s12+$0x0], $0xffff  }
0x13e: {  	v57 =	vld.idx.msk [tilespmem:v56+s18+$0x0], $0xffff;
	_ =	sdelay $0x1  }
0x13f: {  	v58 =	vadd.s32 s7, v13  }
0x140: {  	v59 =	vor.u32 $0xE, v16  }
0x141: {  	v60 =	vor.u32 $0xE, v17  }
0x142: {  	v18 =	vadd.f32 v57, v18;
	_ =	sdelay $0x1  }
0x143: {  	[tilespmem:v58+s29+$0x0] =	vst.idx.msk $0xffff, v18  }
0x144: {  	v18 =	vld.idx.msk [tilespmem:v59+s12+$0x0], $0xffff  }
0x145: {  	v61 =	vld.idx.msk [tilespmem:v60+s18+$0x0], $0xffff;
	_ =	sdelay $0x1  }
0x146: {  	v62 =	vadd.s32 s7, v14  }
0x147: {  	v16 =	vor.u32 $0xF, v16  }
0x148: {  	v17 =	vor.u32 $0xF, v17  }
0x149: {  	v18 =	vadd.f32 v61, v18;
	_ =	sdelay $0x1  }
0x14a: {  	[tilespmem:v62+s29+$0x0] =	vst.idx.msk $0xffff, v18  }
0x14b: {  	v16 =	vld.idx.msk [tilespmem:v16+s12+$0x0], $0xffff  }
0x14c: {  	v17 =	vld.idx.msk [tilespmem:v17+s18+$0x0], $0xffff;
	_ =	sdelay $0x1  }
0x14d: {  	v63 =	vadd.s32 s7, v15;
	_ =	sdelay $0x1  }
0x14e: {  	s2 =	sshll.u32 s16, $0x7  }
0x14f: {  	s16 =	sadd.s32 $0x1, s16;
	s2 =	sadd.s32 s1, s2;
	v16 =	vadd.f32 v17, v16  }
0x150: {  	p0 =	sne.s32 s16, $0x8;
	s2 =	sshrl.u32 s2, $0x3  }
.Ltmp1:
0x151: {  	s2 =	sadd.s32 s14, s2;
	[tilespmem:v63+s29+$0x0] =	vst.idx.msk $0xffff, v16;
	(pc) =	sbr.rel @p0 .LBB2_3-.Ltmp1, $4  }
0x152: {  	[hbm4b:s2+s30] =	stream.strided.scatter [tilespmem:s29], [sflag:$0x1], $0x2780, s31, s30, $0x38;
	[tilespmem:$0x14180] =	vst v63  }
0x153: {  	_ =	swait.ge [sflag:s17], $0x2780  }
0x154: {  	[sflag:s17] =	ssyncset.done $0x0  }
0x155: {  	[sflag:s17] =	ssyncadd.s32 $0xFFFFD880  }
0x156: {  	s13 =	sadd.s32 $0x1, s13  }
0x157: {  	p0 =	sne.s32 s13, $0x4  }
.Ltmp2:
0x158: {  	_ = 	snop;
	(pc) =	sbr.rel @p0 .LBB2_2-.Ltmp2, $1  }
0x159: {  	_ =	sdelay $0x3  }
0x15a: {  	s1 =	rddreg [dreg:$0xe]  }
0x15b: {  	s0 =	rddreg [dreg:$0xd];
	s1 =	sadd.s32 $0x1, s1  }
0x15c: {  	p0 =	sne.s32 s1, s0  }
.Ltmp3:
0x15d: {  	_ = 	snop;
	(pc) =	sbr.rel @p0 .LBB2_1-.Ltmp3, $1  }
0x15e: {  	_ =	sdelay $0x3  }
0x15f: {  	_ =	sfence.sel $0x180000  }
0x160: {  	[bflag:$0x0] =	sbarrier.arrive $0xFFFF  }
0x161: {  	_ =	strace $0x90000047  }
0x162: {  	s0 =	stileid.u32;
	[bflag:$0x2] =	sbarrier.arrive $0xFFFF  }
0x163: {  	p0 =	sne.s32 s0, $0x0;
	s0 =	rddreg [dreg:$0xc]  }
0x164: {  	s0 =	sadd.s32 @!p0 $0x100000, s0  }
0x165: {  	[sflag:s0] =	ssyncadd.tile.s32 @!p0 $0x1;
	_ =	shalt  }
.Lfunc_end2:
_tile_overlayer_lowered:
.L_overlay_start_2:
0x166: {  	(tag) =	ssettag $0x2  }
0x167: {  	s0 =	rddreg [dreg:$0x0];
	s2 =	stileid.u32  }
0x168: {  	s1 =	rddreg [dreg:$0x1];
	p0 =	sne.s32 s2, $0x0  }
0x169: {  	s3 =	rddreg [dreg:$0x2];
	[bflag:$0x3] =	sbarrier.arrive $0xFFFF;
	s2 =	simm.s32 @!p0 $0x1C01  }
0x16a: {  	[timem:s3], [sflag:s2] =	dma.local @!p0 [hbm:s0], s1  }
0x16b: {  	s0 =	simm.s32 @!p0 $0x1  }
0x16c: {  	_ =	swait.ge @!p0 [sflag:s0], s1  }
0x16d: {  	s1 =	ssub.s32 @!p0 $0x0, s1;
	[sflag:s0] =	ssyncset.done @!p0 $0x0  }
0x16e: {  	[sflag:s0] =	ssyncadd.s32 @!p0 s1  }
0x16f: {  	[bflag:$0x3] =	sbarrier.arrive $0xFFFF  }
0x170: {  	_ =	shalt  }

</sc_bundles>
